<compile_context>
chip_gen: v7x
topology: tpu7x:2x2x1
jax: 0.10.2.dev20260603
libtpu: 0.0.44.dev20260713+nightly
codegen_flags: <defaults>
</compile_context>

<pallas_src>
import functools

import jax
import jax.numpy as jnp
from jax import lax
from jax.experimental import pallas as pl
from jax.experimental.pallas import tpu as pltpu
from jax.experimental.pallas import tpu_sc as plsc

NUM_BLOCKS = 4096
BLOCK_SIZE = 16
NUM_KV_HEADS = 8
HEAD_DIM = 128
NUM_TOKENS = 16384

NUM_SLOTS = NUM_BLOCKS * BLOCK_SIZE
ROW = NUM_KV_HEADS * HEAD_DIM
NUM_WORKERS = 32
SLOTS_PER_W = NUM_SLOTS // NUM_WORKERS
L = 16
CCHUNK = 16
NCHUNKS = SLOTS_PER_W // CCHUNK
NBUF = 2
NITER = NCHUNKS // NBUF
SGRP = 32
NSGRP_MAX = SLOTS_PER_W // SGRP


def _dyn_gather(v, idx):
    dnums = lax.GatherDimensionNumbers(
        offset_dims=(), collapsed_slice_dims=(0,), start_index_map=(0,))
    return lax.gather(v, idx[:, None], dnums, (1,),
                      mode=lax.GatherScatterMode.PROMISE_IN_BOUNDS)


def _sc_body(inp_hbm, cache_hbm, bi_hbm, bo_hbm, out_hbm,
             bi_v, bo_v, winner_v, tids_v, slots_v, rows_v, cshared,
             in_sems, out_sems, g_sem, s_sem):
    c = lax.axis_index("c")
    s = lax.axis_index("s")
    w = s * 2 + c
    base_slot = w * SLOTS_PER_W
    base_chunk = base_slot // CCHUNK

    for b in range(NBUF):
        pltpu.make_async_copy(
            cache_hbm.at[pl.ds((base_chunk + b) * CCHUNK, CCHUNK)],
            cshared.at[s, b], in_sems.at[b]).start()

    pltpu.sync_copy(bi_hbm, bi_v)
    pltpu.sync_copy(bo_hbm, bo_v)

    iota = lax.iota(jnp.int32, L)
    neg1 = jnp.full((L,), -1, jnp.int32)

    def init_body(j, carry):
        winner_v[pl.ds(j * L, L)] = neg1
        return carry
    lax.fori_loop(0, SLOTS_PER_W // L, init_body, 0)

    ngroup_per_iter = (NUM_TOKENS // L) // NITER

    def scan_group(i):
        bi16 = bi_v[pl.ds(i * L, L)]
        bo16 = bo_v[pl.ds(i * L, L)]
        slot = bi16 * BLOCK_SIZE + bo16
        tid = i * L + iota
        own = jnp.logical_and(slot >= base_slot,
                              slot < base_slot + SLOTS_PER_W)
        _, last = plsc.scan_count(slot)
        m = jnp.logical_and(own, last)
        idx = jnp.clip(slot - base_slot, 0, SLOTS_PER_W - 1)
        plsc.store_scatter(winner_v, [idx], tid, mask=m)

    def fused_body(kk, carry):
        for t in range(ngroup_per_iter // 2):
            scan_group(kk * ngroup_per_iter + t)
        for b in range(NBUF):
            ch = kk * NBUF + b
            pltpu.make_async_copy(
                cache_hbm.at[pl.ds((base_chunk + ch) * CCHUNK, CCHUNK)],
                cshared.at[s, b], in_sems.at[b]).wait()
            pltpu.make_async_copy(
                cshared.at[s, b],
                out_hbm.at[pl.ds((base_chunk + ch) * CCHUNK, CCHUNK)],
                out_sems.at[b]).start()
        for t in range(ngroup_per_iter // 2, ngroup_per_iter):
            scan_group(kk * ngroup_per_iter + t)
        for b in range(NBUF):
            ch = jnp.minimum(kk * NBUF + b + NBUF, NCHUNKS - 1)
            pltpu.make_async_copy(
                cshared.at[s, b],
                out_hbm.at[pl.ds((base_chunk + ch) * CCHUNK, CCHUNK)],
                out_sems.at[b]).wait()
            pltpu.make_async_copy(
                cache_hbm.at[pl.ds((base_chunk + ch) * CCHUNK, CCHUNK)],
                cshared.at[s, b], in_sems.at[b]).start()
        return carry
    lax.fori_loop(0, NITER, fused_body, 0)

    for b in range(NBUF):
        ch = NCHUNKS - 1
        pltpu.make_async_copy(
            cache_hbm.at[pl.ds((base_chunk + ch) * CCHUNK, CCHUNK)],
            cshared.at[s, b], in_sems.at[b]).wait()

    fifteen = jnp.full((L,), L - 1, jnp.int32)

    def comp_body(j, carry):
        nwv, tid_pad, slot_pad = carry
        wv = winner_v[pl.ds(j * L, L)]
        m = wv >= 0
        pc = plsc.cumsum(jnp.where(m, 1, 0))
        pos = jnp.clip(nwv + pc - 1, 0, SLOTS_PER_W - 1)
        slots16 = base_slot + j * L + iota
        plsc.store_scatter(tids_v, [pos >> 5, pos & (SGRP - 1)], wv, mask=m)
        plsc.store_scatter(slots_v, [pos >> 5, pos & (SGRP - 1)], slots16,
                           mask=m)
        cnt = plsc.all_reduce_population_count(m)
        lstar = _dyn_gather(plsc.cummax(jnp.where(m, iota, -1)), fifteen)
        has = cnt > 0
        lstar_c = jnp.clip(lstar, 0, L - 1)
        tid_pad = jnp.where(has, _dyn_gather(wv, lstar_c), tid_pad)
        slot_pad = jnp.where(has, _dyn_gather(slots16, lstar_c), slot_pad)
        return nwv + cnt, tid_pad, slot_pad

    nwv, tid_pad, slot_pad = lax.fori_loop(
        0, SLOTS_PER_W // L, comp_body,
        (jnp.zeros((L,), jnp.int32), jnp.zeros((L,), jnp.int32),
         base_slot + jnp.zeros((L,), jnp.int32)))
    nw = jnp.clip(jnp.max(nwv), 0, SLOTS_PER_W)

    for q in range(2):
        tpos = jnp.clip(nw + q * L + iota, 0, SLOTS_PER_W + SGRP - 1)
        plsc.store_scatter(tids_v, [tpos >> 5, tpos & (SGRP - 1)], tid_pad)
        plsc.store_scatter(slots_v, [tpos >> 5, tpos & (SGRP - 1)],
                           slot_pad)

    ngroups = jnp.clip(lax.div(nw + SGRP - 1, SGRP), 0, NSGRP_MAX)

    def scat_body(g, carry):
        gcp = pltpu.make_async_copy(
            inp_hbm.at[tids_v.at[g]], rows_v, g_sem)
        gcp.start()
        gcp.wait()
        scp = pltpu.make_async_copy(
            rows_v, out_hbm.at[slots_v.at[g]], s_sem)
        scp.start()
        scp.wait()
        return carry
    lax.fori_loop(0, ngroups, scat_body, 0)


def kernel(input, cache, block_indices, block_offset):
    inp2 = input.reshape(NUM_TOKENS, ROW)
    cache2 = cache.reshape(NUM_SLOTS, ROW)
    mesh = plsc.VectorSubcoreMesh(core_axis_name="c", subcore_axis_name="s")
    run = functools.partial(
        pl.kernel,
        out_type=jax.ShapeDtypeStruct((NUM_SLOTS, ROW), jnp.float32),
        mesh=mesh,
        compiler_params=pltpu.CompilerParams(needs_layout_passes=False),
        scratch_types=[
            pltpu.VMEM((NUM_TOKENS,), jnp.int32),
            pltpu.VMEM((NUM_TOKENS,), jnp.int32),
            pltpu.VMEM((SLOTS_PER_W,), jnp.int32),
            pltpu.VMEM((NSGRP_MAX + 1, SGRP), jnp.int32),
            pltpu.VMEM((NSGRP_MAX + 1, SGRP), jnp.int32),
            pltpu.VMEM((SGRP, ROW), jnp.float32),
            pltpu.VMEM_SHARED((16, NBUF, CCHUNK, ROW), jnp.float32),
            pltpu.SemaphoreType.DMA((NBUF,)),
            pltpu.SemaphoreType.DMA((NBUF,)),
            pltpu.SemaphoreType.DMA,
            pltpu.SemaphoreType.DMA,
        ],
    )(_sc_body)
    out = run(inp2, cache2, block_indices, block_offset)
    return out.reshape(cache.shape)

# --- scband reference (transcript-rebuilt; emitter-appended) ---
"""Pipeline reference for scband-vllmkvcache-35734127903093 (READ-ONLY COPY).

The authoritative reference and input builder live on the scoring server;
editing this copy changes nothing except your own understanding.
"""

import jax, jax.numpy as jnp
import numpy as np

NUM_BLOCKS = 4096
BLOCK_SIZE = 16
NUM_KV_HEADS = 8
HEAD_DIM = 128
NUM_TOKENS = 16384


def setup_inputs(seed: int = 0) -> dict:
    key = jax.random.key(seed)
    k1, k2, k3, k4 = jax.random.split(key, 4)
    inp = jax.random.normal(k1, (NUM_TOKENS, NUM_KV_HEADS, HEAD_DIM), dtype=jnp.float32)
    cache = jax.random.normal(k2, (NUM_BLOCKS, BLOCK_SIZE, NUM_KV_HEADS, HEAD_DIM), dtype=jnp.float32)
    block_indices = jax.random.randint(k3, (NUM_TOKENS,), 0, NUM_BLOCKS, dtype=jnp.int32)
    block_offset = jax.random.randint(k4, (NUM_TOKENS,), 0, BLOCK_SIZE, dtype=jnp.int32)
    return {
        "input": inp,
        "cache": cache,
        "block_indices": block_indices,
        "block_offset": block_offset,
    }


def reference(input, cache, block_indices, block_offset):
    # insert_or_update_cache with block_offset provided:
    #   cache.index_put_((block_indices, block_offset), input)
    # i.e. scatter-overwrite of token KV vectors into the paged cache.
    new_cache = cache.at[block_indices, block_offset].set(input)
    return new_cache

if __name__ == "__main__":
    import jax
    _d = setup_inputs()
    print(jax.jit(kernel)(*tuple(_d.values())))

</pallas_src>

<mosaic_0001>
#map = affine_map<(d0, d1) -> (0, 0)>
#map1 = affine_map<(d0, d1) -> (0)>
module attributes {stable_mosaic.version = 14 : i64} {
  func.func @_sc_body(%arg0: i32, %arg1: i32, %arg2: memref<16384x1024xf32, #tpu.memory_space<hbm>>, %arg3: memref<65536x1024xf32, #tpu.memory_space<hbm>>, %arg4: memref<16384xi32, #tpu.memory_space<hbm>>, %arg5: memref<16384xi32, #tpu.memory_space<hbm>>, %arg6: memref<65536x1024xf32, #tpu.memory_space<hbm>>, %arg7: memref<16384xi32, #tpu.memory_space<vmem>>, %arg8: memref<16384xi32, #tpu.memory_space<vmem>>, %arg9: memref<2048xi32, #tpu.memory_space<vmem>>, %arg10: memref<65x32xi32, #tpu.memory_space<vmem>>, %arg11: memref<65x32xi32, #tpu.memory_space<vmem>>, %arg12: memref<32x1024xf32, #tpu.memory_space<vmem>>, %arg13: memref<16x2x16x1024xf32, #tpu.memory_space<vmem_shared>>, %arg14: memref<2x!tpu.dma_semaphore, #tpu.memory_space<semaphore_mem>>, %arg15: memref<2x!tpu.dma_semaphore, #tpu.memory_space<semaphore_mem>>, %arg16: memref<!tpu.dma_semaphore, #tpu.memory_space<semaphore_mem>>, %arg17: memref<!tpu.dma_semaphore, #tpu.memory_space<semaphore_mem>>) attributes {dimension_semantics = [#tpu.dimension_semantics<core_parallel>, #tpu.dimension_semantics<subcore_parallel>], iteration_bounds = array<i64: 2, 16>, scalar_prefetch = 0 : i64, scratch_operands = 11 : i64, tpu.core_type = #tpu.core_type<sc_vector_subcore>, window_params = [{transform_indices = #map}, {transform_indices = #map}, {transform_indices = #map1}, {transform_indices = #map1}, {transform_indices = #map}]} {
    %mul3A = arith.constant 2 : i32
    %mul3A_0 = arith.muli %arg1, %mul3A : i32
    %add3A = arith.addi %mul3A_0, %arg0 : i32
    %mul3A_1 = arith.constant 2048 : i32
    %mul3A_2 = arith.muli %add3A, %mul3A_1 : i32
    %jit3A = arith.constant 16 : i32
    %div3A = arith.divsi %mul3A_2, %jit3A : i32
    %sign3A = arith.constant 0 : i32
    %sign3A_3 = arith.cmpi sgt, %mul3A_2, %sign3A : i32
    %sign3A_4 = arith.extui %sign3A_3 : i1 to i32
    %sign3A_5 = arith.constant 0 : i32
    %sign3A_6 = arith.cmpi slt, %mul3A_2, %sign3A_5 : i32
    %sign3A_7 = arith.extui %sign3A_6 : i1 to i32
    %sign3A_8 = arith.subi %sign3A_4, %sign3A_7 : i32
    %sign3A_9 = arith.constant 0 : i32
    %sign3A_10 = arith.cmpi sgt, %jit3A, %sign3A_9 : i32
    %sign3A_11 = arith.extui %sign3A_10 : i1 to i32
    %sign3A_12 = arith.constant 0 : i32
    %sign3A_13 = arith.cmpi slt, %jit3A, %sign3A_12 : i32
    %sign3A_14 = arith.extui %sign3A_13 : i1 to i32
    %sign3A_15 = arith.subi %sign3A_11, %sign3A_14 : i32
    %ne3A = arith.cmpi ne, %sign3A_8, %sign3A_15 : i32
    %rem3A = arith.remsi %mul3A_2, %jit3A : i32
    %ne3A_16 = arith.constant 0 : i32
    %ne3A_17 = arith.cmpi ne, %rem3A, %ne3A_16 : i32
    %and3A = arith.andi %ne3A, %ne3A_17 : i1
    %sub3A = arith.constant 1 : i32
    %sub3A_18 = arith.subi %div3A, %sub3A : i32
    %select_n3A = arith.select %and3A, %sub3A_18, %div3A : i32
    %add3A_19 = arith.constant 0 : i32
    %add3A_20 = arith.addi %select_n3A, %add3A_19 : i32
    %mul3A_21 = arith.constant 16 : i32
    %mul3A_22 = arith.muli %add3A_20, %mul3A_21 : i32
    %dma_start3A = arith.constant 0 : i32
    %dma_start3A_23 = arith.constant 0 : i32
    %dma_start3A_24 = tpu.memref_slice %arg14[%dma_start3A_23] : memref<2x!tpu.dma_semaphore, #tpu.memory_space<semaphore_mem>> -> memref<1x!tpu.dma_semaphore, #tpu.memory_space<semaphore_mem>>
    %dma_start3A_25 = tpu.memref_squeeze %dma_start3A_24 : memref<1x!tpu.dma_semaphore, #tpu.memory_space<semaphore_mem>> -> memref<!tpu.dma_semaphore, #tpu.memory_space<semaphore_mem>>
    %dma_start3A_26 = arith.constant 0 : i32
    %dma_start3A_27 = arith.constant 0 : i32
    %dma_start3A_28 = tpu.memref_slice %arg13[%arg1, %dma_start3A, %dma_start3A_26, %dma_start3A_27] : memref<16x2x16x1024xf32, #tpu.memory_space<vmem_shared>> -> memref<1x1x16x1024xf32, #tpu.memory_space<vmem_shared>>
    %dma_start3A_29 = tpu.memref_squeeze %dma_start3A_28 : memref<1x1x16x1024xf32, #tpu.memory_space<vmem_shared>> -> memref<16x1024xf32, #tpu.memory_space<vmem_shared>>
    %dma_start3A_30 = arith.constant 0 : i32
    %dma_start3A_31 = tpu.memref_slice %arg3[%mul3A_22, %dma_start3A_30] : memref<65536x1024xf32, #tpu.memory_space<hbm>> -> memref<16x1024xf32, #tpu.memory_space<hbm>>
    tpu.enqueue_dma source(%dma_start3A_31 : memref<16x1024xf32, #tpu.memory_space<hbm>>) target(%dma_start3A_29 : memref<16x1024xf32, #tpu.memory_space<vmem_shared>>) target_semaphore(%dma_start3A_25 : memref<!tpu.dma_semaphore, #tpu.memory_space<semaphore_mem>>)
    %add3A_32 = arith.constant 1 : i32
    %add3A_33 = arith.addi %select_n3A, %add3A_32 : i32
    %mul3A_34 = arith.constant 16 : i32
    %mul3A_35 = arith.muli %add3A_33, %mul3A_34 : i32
    %dma_start3A_36 = arith.constant 1 : i32
    %dma_start3A_37 = arith.constant 1 : i32
    %dma_start3A_38 = tpu.memref_slice %arg14[%dma_start3A_37] : memref<2x!tpu.dma_semaphore, #tpu.memory_space<semaphore_mem>> -> memref<1x!tpu.dma_semaphore, #tpu.memory_space<semaphore_mem>>
    %dma_start3A_39 = tpu.memref_squeeze %dma_start3A_38 : memref<1x!tpu.dma_semaphore, #tpu.memory_space<semaphore_mem>> -> memref<!tpu.dma_semaphore, #tpu.memory_space<semaphore_mem>>
    %dma_start3A_40 = arith.constant 0 : i32
    %dma_start3A_41 = arith.constant 0 : i32
    %dma_start3A_42 = tpu.memref_slice %arg13[%arg1, %dma_start3A_36, %dma_start3A_40, %dma_start3A_41] : memref<16x2x16x1024xf32, #tpu.memory_space<vmem_shared>> -> memref<1x1x16x1024xf32, #tpu.memory_space<vmem_shared>>
    %dma_start3A_43 = tpu.memref_squeeze %dma_start3A_42 : memref<1x1x16x1024xf32, #tpu.memory_space<vmem_shared>> -> memref<16x1024xf32, #tpu.memory_space<vmem_shared>>
    %dma_start3A_44 = arith.constant 0 : i32
    %dma_start3A_45 = tpu.memref_slice %arg3[%mul3A_35, %dma_start3A_44] : memref<65536x1024xf32, #tpu.memory_space<hbm>> -> memref<16x1024xf32, #tpu.memory_space<hbm>>
    tpu.enqueue_dma source(%dma_start3A_45 : memref<16x1024xf32, #tpu.memory_space<hbm>>) target(%dma_start3A_43 : memref<16x1024xf32, #tpu.memory_space<vmem_shared>>) target_semaphore(%dma_start3A_39 : memref<!tpu.dma_semaphore, #tpu.memory_space<semaphore_mem>>)
    "tpu.region"() ({
      %run_scoped3A = tpu.sem_alloc : memref<!tpu.dma_semaphore, #tpu.memory_space<semaphore_mem>>
      tpu.enqueue_dma source(%arg4 : memref<16384xi32, #tpu.memory_space<hbm>>) target(%arg7 : memref<16384xi32, #tpu.memory_space<vmem>>) target_semaphore(%run_scoped3A : memref<!tpu.dma_semaphore, #tpu.memory_space<semaphore_mem>>)
      tpu.wait_dma2 semaphore(%run_scoped3A : memref<!tpu.dma_semaphore, #tpu.memory_space<semaphore_mem>>) src(%arg4 : memref<16384xi32, #tpu.memory_space<hbm>>) dst(%arg7 : memref<16384xi32, #tpu.memory_space<vmem>>)
      tpu.yield
    }) : () -> ()
    "tpu.region"() ({
      %run_scoped3A = tpu.sem_alloc : memref<!tpu.dma_semaphore, #tpu.memory_space<semaphore_mem>>
      tpu.enqueue_dma source(%arg5 : memref<16384xi32, #tpu.memory_space<hbm>>) target(%arg8 : memref<16384xi32, #tpu.memory_space<vmem>>) target_semaphore(%run_scoped3A : memref<!tpu.dma_semaphore, #tpu.memory_space<semaphore_mem>>)
      tpu.wait_dma2 semaphore(%run_scoped3A : memref<!tpu.dma_semaphore, #tpu.memory_space<semaphore_mem>>) src(%arg5 : memref<16384xi32, #tpu.memory_space<hbm>>) dst(%arg8 : memref<16384xi32, #tpu.memory_space<vmem>>)
      tpu.yield
    }) : () -> ()
    %iota3A = tpu.iota {dimensions = array<i32: 0>} : vector<16xi32>
    %broadcast_in_dim3A = arith.constant -1 : i32
    %broadcast_in_dim3A_46 = vector.broadcast %broadcast_in_dim3A : i32 to vector<16xi32>
    %scan3A = arith.constant 0 : i32
    %scan3A_47 = arith.constant 0 : i32
    %scan3A_48 = arith.constant 128 : i32
    %scan3A_49 = arith.addi %scan3A_47, %scan3A_48 : i32
    %scan3A_50 = arith.constant 1 : i32
    scf.for %scan3A_172 = %scan3A_47 to %scan3A_49 step %scan3A_50  : i32 {
      %mul3A_173 = arith.constant 16 : i32
      %mul3A_174 = arith.muli %scan3A_172, %mul3A_173 : i32
      %swap3A = arith.index_cast %mul3A_174 : i32 to index
      %swap3A_175 = tpu.vector_load %arg9[%swap3A] {strides = array<i32>} : memref<2048xi32, #tpu.memory_space<vmem>>, vector<16xi32>,
      tpu.vector_store %arg9[%swap3A], %broadcast_in_dim3A_46 {strides = array<i32>} : memref<2048xi32, #tpu.memory_space<vmem>>, vector<16xi32>,
    }
    %scan3A_51 = arith.constant 128 : i32
    %scan3A_52 = arith.constant 0 : i32
    %scan3A_53 = arith.constant 0 : i32
    %scan3A_54 = arith.constant 64 : i32
    %scan3A_55 = arith.addi %scan3A_53, %scan3A_54 : i32
    %scan3A_56 = arith.constant 1 : i32
    scf.for %scan3A_172 = %scan3A_53 to %scan3A_55 step %scan3A_56  : i32 {
      %mul3A_173 = arith.constant 16 : i32
      %mul3A_174 = arith.muli %scan3A_172, %mul3A_173 : i32
      %add3A_175 = arith.constant 0 : i32
      %add3A_176 = arith.addi %mul3A_174, %add3A_175 : i32
      %mul3A_177 = arith.constant 16 : i32
      %mul3A_178 = arith.muli %add3A_176, %mul3A_177 : i32
      %get3A = arith.index_cast %mul3A_178 : i32 to index
      %get3A_179 = tpu.vector_load %arg7[%get3A] {strides = array<i32>} : memref<16384xi32, #tpu.memory_space<vmem>>, vector<16xi32>,
      %mul3A_180 = arith.constant 16 : i32
      %mul3A_181 = arith.muli %add3A_176, %mul3A_180 : i32
      %get3A_182 = arith.index_cast %mul3A_181 : i32 to index
      %get3A_183 = tpu.vector_load %arg8[%get3A_182] {strides = array<i32>} : memref<16384xi32, #tpu.memory_space<vmem>>, vector<16xi32>,
      %mul3A_184 = arith.constant 16 : i32
      %mul3A_185 = vector.broadcast %mul3A_184 : i32 to vector<16xi32>
      %mul3A_186 = arith.muli %get3A_179, %mul3A_185 : vector<16xi32>
      %add3A_187 = arith.addi %mul3A_186, %get3A_183 : vector<16xi32>
      %mul3A_188 = arith.constant 16 : i32
      %mul3A_189 = arith.muli %add3A_176, %mul3A_188 : i32
      %add3A_190 = vector.broadcast %mul3A_189 : i32 to vector<16xi32>
      %add3A_191 = arith.addi %add3A_190, %iota3A : vector<16xi32>
      %ge3A = vector.broadcast %mul3A_2 : i32 to vector<16xi32>
      %ge3A_192 = arith.cmpi sge, %add3A_187, %ge3A : vector<16xi32>
      %add3A_193 = arith.constant 2048 : i32
      %add3A_194 = arith.addi %mul3A_2, %add3A_193 : i32
      %lt3A = vector.broadcast %add3A_194 : i32 to vector<16xi32>
      %lt3A_195 = arith.cmpi slt, %add3A_187, %lt3A : vector<16xi32>
      %and3A_196 = arith.andi %ge3A_192, %lt3A_195 : vector<16xi1>
      %broadcast_in_dim3A_197 = arith.constant true
      %broadcast_in_dim3A_198 = vector.broadcast %broadcast_in_dim3A_197 : i1 to vector<16xi1>
      %unique3A, %unique3A_199 = tpu.scan_count mask(%broadcast_in_dim3A_198 : vector<16xi1>) value(%add3A_187 : vector<16xi32>) : vector<16xi1>, vector<16xi32>
      %and3A_200 = arith.andi %and3A_196, %unique3A : vector<16xi1>
      %sub3A_201 = vector.broadcast %mul3A_2 : i32 to vector<16xi32>
      %sub3A_202 = arith.subi %add3A_187, %sub3A_201 : vector<16xi32>
      %jit3A_203 = arith.constant 0 : i32
      %jit3A_204 = arith.constant 2047 : i32
      %max3A_205 = vector.broadcast %jit3A_203 : i32 to vector<16xi32>
      %max3A_206 = arith.maxsi %max3A_205, %sub3A_202 : vector<16xi32>
      %min3A_207 = vector.broadcast %jit3A_204 : i32 to vector<16xi32>
      %min3A_208 = arith.minsi %min3A_207, %max3A_206 : vector<16xi32>
      tpu.vector_store_idx %arg9[%min3A_208], %add3A_191 masked %and3A_200 : memref<2048xi32, #tpu.memory_space<vmem>>[vector<16xi32>], vector<16xi32>, vector<16xi1>
      %mul3A_209 = arith.constant 16 : i32
      %mul3A_210 = arith.muli %scan3A_172, %mul3A_209 : i32
      %add3A_211 = arith.constant 1 : i32
      %add3A_212 = arith.addi %mul3A_210, %add3A_211 : i32
      %mul3A_213 = arith.constant 16 : i32
      %mul3A_214 = arith.muli %add3A_212, %mul3A_213 : i32
      %get3A_215 = arith.index_cast %mul3A_214 : i32 to index
      %get3A_216 = tpu.vector_load %arg7[%get3A_215] {strides = array<i32>} : memref<16384xi32, #tpu.memory_space<vmem>>, vector<16xi32>,
      %mul3A_217 = arith.constant 16 : i32
      %mul3A_218 = arith.muli %add3A_212, %mul3A_217 : i32
      %get3A_219 = arith.index_cast %mul3A_218 : i32 to index
      %get3A_220 = tpu.vector_load %arg8[%get3A_219] {strides = array<i32>} : memref<16384xi32, #tpu.memory_space<vmem>>, vector<16xi32>,
      %mul3A_221 = arith.constant 16 : i32
      %mul3A_222 = vector.broadcast %mul3A_221 : i32 to vector<16xi32>
      %mul3A_223 = arith.muli %get3A_216, %mul3A_222 : vector<16xi32>
      %add3A_224 = arith.addi %mul3A_223, %get3A_220 : vector<16xi32>
      %mul3A_225 = arith.constant 16 : i32
      %mul3A_226 = arith.muli %add3A_212, %mul3A_225 : i32
      %add3A_227 = vector.broadcast %mul3A_226 : i32 to vector<16xi32>
      %add3A_228 = arith.addi %add3A_227, %iota3A : vector<16xi32>
      %ge3A_229 = vector.broadcast %mul3A_2 : i32 to vector<16xi32>
      %ge3A_230 = arith.cmpi sge, %add3A_224, %ge3A_229 : vector<16xi32>
      %add3A_231 = arith.constant 2048 : i32
      %add3A_232 = arith.addi %mul3A_2, %add3A_231 : i32
      %lt3A_233 = vector.broadcast %add3A_232 : i32 to vector<16xi32>
      %lt3A_234 = arith.cmpi slt, %add3A_224, %lt3A_233 : vector<16xi32>
      %and3A_235 = arith.andi %ge3A_230, %lt3A_234 : vector<16xi1>
      %broadcast_in_dim3A_236 = arith.constant true
      %broadcast_in_dim3A_237 = vector.broadcast %broadcast_in_dim3A_236 : i1 to vector<16xi1>
      %unique3A_238, %unique3A_239 = tpu.scan_count mask(%broadcast_in_dim3A_237 : vector<16xi1>) value(%add3A_224 : vector<16xi32>) : vector<16xi1>, vector<16xi32>
      %and3A_240 = arith.andi %and3A_235, %unique3A_238 : vector<16xi1>
      %sub3A_241 = vector.broadcast %mul3A_2 : i32 to vector<16xi32>
      %sub3A_242 = arith.subi %add3A_224, %sub3A_241 : vector<16xi32>
      %jit3A_243 = arith.constant 0 : i32
      %jit3A_244 = arith.constant 2047 : i32
      %max3A_245 = vector.broadcast %jit3A_243 : i32 to vector<16xi32>
      %max3A_246 = arith.maxsi %max3A_245, %sub3A_242 : vector<16xi32>
      %min3A_247 = vector.broadcast %jit3A_244 : i32 to vector<16xi32>
      %min3A_248 = arith.minsi %min3A_247, %max3A_246 : vector<16xi32>
      tpu.vector_store_idx %arg9[%min3A_248], %add3A_228 masked %and3A_240 : memref<2048xi32, #tpu.memory_space<vmem>>[vector<16xi32>], vector<16xi32>, vector<16xi1>
      %mul3A_249 = arith.constant 16 : i32
      %mul3A_250 = arith.muli %scan3A_172, %mul3A_249 : i32
      %add3A_251 = arith.constant 2 : i32
      %add3A_252 = arith.addi %mul3A_250, %add3A_251 : i32
      %mul3A_253 = arith.constant 16 : i32
      %mul3A_254 = arith.muli %add3A_252, %mul3A_253 : i32
      %get3A_255 = arith.index_cast %mul3A_254 : i32 to index
      %get3A_256 = tpu.vector_load %arg7[%get3A_255] {strides = array<i32>} : memref<16384xi32, #tpu.memory_space<vmem>>, vector<16xi32>,
      %mul3A_257 = arith.constant 16 : i32
      %mul3A_258 = arith.muli %add3A_252, %mul3A_257 : i32
      %get3A_259 = arith.index_cast %mul3A_258 : i32 to index
      %get3A_260 = tpu.vector_load %arg8[%get3A_259] {strides = array<i32>} : memref<16384xi32, #tpu.memory_space<vmem>>, vector<16xi32>,
      %mul3A_261 = arith.constant 16 : i32
      %mul3A_262 = vector.broadcast %mul3A_261 : i32 to vector<16xi32>
      %mul3A_263 = arith.muli %get3A_256, %mul3A_262 : vector<16xi32>
      %add3A_264 = arith.addi %mul3A_263, %get3A_260 : vector<16xi32>
      %mul3A_265 = arith.constant 16 : i32
      %mul3A_266 = arith.muli %add3A_252, %mul3A_265 : i32
      %add3A_267 = vector.broadcast %mul3A_266 : i32 to vector<16xi32>
      %add3A_268 = arith.addi %add3A_267, %iota3A : vector<16xi32>
      %ge3A_269 = vector.broadcast %mul3A_2 : i32 to vector<16xi32>
      %ge3A_270 = arith.cmpi sge, %add3A_264, %ge3A_269 : vector<16xi32>
      %add3A_271 = arith.constant 2048 : i32
      %add3A_272 = arith.addi %mul3A_2, %add3A_271 : i32
      %lt3A_273 = vector.broadcast %add3A_272 : i32 to vector<16xi32>
      %lt3A_274 = arith.cmpi slt, %add3A_264, %lt3A_273 : vector<16xi32>
      %and3A_275 = arith.andi %ge3A_270, %lt3A_274 : vector<16xi1>
      %broadcast_in_dim3A_276 = arith.constant true
      %broadcast_in_dim3A_277 = vector.broadcast %broadcast_in_dim3A_276 : i1 to vector<16xi1>
      %unique3A_278, %unique3A_279 = tpu.scan_count mask(%broadcast_in_dim3A_277 : vector<16xi1>) value(%add3A_264 : vector<16xi32>) : vector<16xi1>, vector<16xi32>
      %and3A_280 = arith.andi %and3A_275, %unique3A_278 : vector<16xi1>
      %sub3A_281 = vector.broadcast %mul3A_2 : i32 to vector<16xi32>
      %sub3A_282 = arith.subi %add3A_264, %sub3A_281 : vector<16xi32>
      %jit3A_283 = arith.constant 0 : i32
      %jit3A_284 = arith.constant 2047 : i32
      %max3A_285 = vector.broadcast %jit3A_283 : i32 to vector<16xi32>
      %max3A_286 = arith.maxsi %max3A_285, %sub3A_282 : vector<16xi32>
      %min3A_287 = vector.broadcast %jit3A_284 : i32 to vector<16xi32>
      %min3A_288 = arith.minsi %min3A_287, %max3A_286 : vector<16xi32>
      tpu.vector_store_idx %arg9[%min3A_288], %add3A_268 masked %and3A_280 : memref<2048xi32, #tpu.memory_space<vmem>>[vector<16xi32>], vector<16xi32>, vector<16xi1>
      %mul3A_289 = arith.constant 16 : i32
      %mul3A_290 = arith.muli %scan3A_172, %mul3A_289 : i32
      %add3A_291 = arith.constant 3 : i32
      %add3A_292 = arith.addi %mul3A_290, %add3A_291 : i32
      %mul3A_293 = arith.constant 16 : i32
      %mul3A_294 = arith.muli %add3A_292, %mul3A_293 : i32
      %get3A_295 = arith.index_cast %mul3A_294 : i32 to index
      %get3A_296 = tpu.vector_load %arg7[%get3A_295] {strides = array<i32>} : memref<16384xi32, #tpu.memory_space<vmem>>, vector<16xi32>,
      %mul3A_297 = arith.constant 16 : i32
      %mul3A_298 = arith.muli %add3A_292, %mul3A_297 : i32
      %get3A_299 = arith.index_cast %mul3A_298 : i32 to index
      %get3A_300 = tpu.vector_load %arg8[%get3A_299] {strides = array<i32>} : memref<16384xi32, #tpu.memory_space<vmem>>, vector<16xi32>,
      %mul3A_301 = arith.constant 16 : i32
      %mul3A_302 = vector.broadcast %mul3A_301 : i32 to vector<16xi32>
      %mul3A_303 = arith.muli %get3A_296, %mul3A_302 : vector<16xi32>
      %add3A_304 = arith.addi %mul3A_303, %get3A_300 : vector<16xi32>
      %mul3A_305 = arith.constant 16 : i32
      %mul3A_306 = arith.muli %add3A_292, %mul3A_305 : i32
      %add3A_307 = vector.broadcast %mul3A_306 : i32 to vector<16xi32>
      %add3A_308 = arith.addi %add3A_307, %iota3A : vector<16xi32>
      %ge3A_309 = vector.broadcast %mul3A_2 : i32 to vector<16xi32>
      %ge3A_310 = arith.cmpi sge, %add3A_304, %ge3A_309 : vector<16xi32>
      %add3A_311 = arith.constant 2048 : i32
      %add3A_312 = arith.addi %mul3A_2, %add3A_311 : i32
      %lt3A_313 = vector.broadcast %add3A_312 : i32 to vector<16xi32>
      %lt3A_314 = arith.cmpi slt, %add3A_304, %lt3A_313 : vector<16xi32>
      %and3A_315 = arith.andi %ge3A_310, %lt3A_314 : vector<16xi1>
      %broadcast_in_dim3A_316 = arith.constant true
      %broadcast_in_dim3A_317 = vector.broadcast %broadcast_in_dim3A_316 : i1 to vector<16xi1>
      %unique3A_318, %unique3A_319 = tpu.scan_count mask(%broadcast_in_dim3A_317 : vector<16xi1>) value(%add3A_304 : vector<16xi32>) : vector<16xi1>, vector<16xi32>
      %and3A_320 = arith.andi %and3A_315, %unique3A_318 : vector<16xi1>
      %sub3A_321 = vector.broadcast %mul3A_2 : i32 to vector<16xi32>
      %sub3A_322 = arith.subi %add3A_304, %sub3A_321 : vector<16xi32>
      %jit3A_323 = arith.constant 0 : i32
      %jit3A_324 = arith.constant 2047 : i32
      %max3A_325 = vector.broadcast %jit3A_323 : i32 to vector<16xi32>
      %max3A_326 = arith.maxsi %max3A_325, %sub3A_322 : vector<16xi32>
      %min3A_327 = vector.broadcast %jit3A_324 : i32 to vector<16xi32>
      %min3A_328 = arith.minsi %min3A_327, %max3A_326 : vector<16xi32>
      tpu.vector_store_idx %arg9[%min3A_328], %add3A_308 masked %and3A_320 : memref<2048xi32, #tpu.memory_space<vmem>>[vector<16xi32>], vector<16xi32>, vector<16xi1>
      %mul3A_329 = arith.constant 16 : i32
      %mul3A_330 = arith.muli %scan3A_172, %mul3A_329 : i32
      %add3A_331 = arith.constant 4 : i32
      %add3A_332 = arith.addi %mul3A_330, %add3A_331 : i32
      %mul3A_333 = arith.constant 16 : i32
      %mul3A_334 = arith.muli %add3A_332, %mul3A_333 : i32
      %get3A_335 = arith.index_cast %mul3A_334 : i32 to index
      %get3A_336 = tpu.vector_load %arg7[%get3A_335] {strides = array<i32>} : memref<16384xi32, #tpu.memory_space<vmem>>, vector<16xi32>,
      %mul3A_337 = arith.constant 16 : i32
      %mul3A_338 = arith.muli %add3A_332, %mul3A_337 : i32
      %get3A_339 = arith.index_cast %mul3A_338 : i32 to index
      %get3A_340 = tpu.vector_load %arg8[%get3A_339] {strides = array<i32>} : memref<16384xi32, #tpu.memory_space<vmem>>, vector<16xi32>,
      %mul3A_341 = arith.constant 16 : i32
      %mul3A_342 = vector.broadcast %mul3A_341 : i32 to vector<16xi32>
      %mul3A_343 = arith.muli %get3A_336, %mul3A_342 : vector<16xi32>
      %add3A_344 = arith.addi %mul3A_343, %get3A_340 : vector<16xi32>
      %mul3A_345 = arith.constant 16 : i32
      %mul3A_346 = arith.muli %add3A_332, %mul3A_345 : i32
      %add3A_347 = vector.broadcast %mul3A_346 : i32 to vector<16xi32>
      %add3A_348 = arith.addi %add3A_347, %iota3A : vector<16xi32>
      %ge3A_349 = vector.broadcast %mul3A_2 : i32 to vector<16xi32>
      %ge3A_350 = arith.cmpi sge, %add3A_344, %ge3A_349 : vector<16xi32>
      %add3A_351 = arith.constant 2048 : i32
      %add3A_352 = arith.addi %mul3A_2, %add3A_351 : i32
      %lt3A_353 = vector.broadcast %add3A_352 : i32 to vector<16xi32>
      %lt3A_354 = arith.cmpi slt, %add3A_344, %lt3A_353 : vector<16xi32>
      %and3A_355 = arith.andi %ge3A_350, %lt3A_354 : vector<16xi1>
      %broadcast_in_dim3A_356 = arith.constant true
      %broadcast_in_dim3A_357 = vector.broadcast %broadcast_in_dim3A_356 : i1 to vector<16xi1>
      %unique3A_358, %unique3A_359 = tpu.scan_count mask(%broadcast_in_dim3A_357 : vector<16xi1>) value(%add3A_344 : vector<16xi32>) : vector<16xi1>, vector<16xi32>
      %and3A_360 = arith.andi %and3A_355, %unique3A_358 : vector<16xi1>
      %sub3A_361 = vector.broadcast %mul3A_2 : i32 to vector<16xi32>
      %sub3A_362 = arith.subi %add3A_344, %sub3A_361 : vector<16xi32>
      %jit3A_363 = arith.constant 0 : i32
      %jit3A_364 = arith.constant 2047 : i32
      %max3A_365 = vector.broadcast %jit3A_363 : i32 to vector<16xi32>
      %max3A_366 = arith.maxsi %max3A_365, %sub3A_362 : vector<16xi32>
      %min3A_367 = vector.broadcast %jit3A_364 : i32 to vector<16xi32>
      %min3A_368 = arith.minsi %min3A_367, %max3A_366 : vector<16xi32>
      tpu.vector_store_idx %arg9[%min3A_368], %add3A_348 masked %and3A_360 : memref<2048xi32, #tpu.memory_space<vmem>>[vector<16xi32>], vector<16xi32>, vector<16xi1>
      %mul3A_369 = arith.constant 16 : i32
      %mul3A_370 = arith.muli %scan3A_172, %mul3A_369 : i32
      %add3A_371 = arith.constant 5 : i32
      %add3A_372 = arith.addi %mul3A_370, %add3A_371 : i32
      %mul3A_373 = arith.constant 16 : i32
      %mul3A_374 = arith.muli %add3A_372, %mul3A_373 : i32
      %get3A_375 = arith.index_cast %mul3A_374 : i32 to index
      %get3A_376 = tpu.vector_load %arg7[%get3A_375] {strides = array<i32>} : memref<16384xi32, #tpu.memory_space<vmem>>, vector<16xi32>,
      %mul3A_377 = arith.constant 16 : i32
      %mul3A_378 = arith.muli %add3A_372, %mul3A_377 : i32
      %get3A_379 = arith.index_cast %mul3A_378 : i32 to index
      %get3A_380 = tpu.vector_load %arg8[%get3A_379] {strides = array<i32>} : memref<16384xi32, #tpu.memory_space<vmem>>, vector<16xi32>,
      %mul3A_381 = arith.constant 16 : i32
      %mul3A_382 = vector.broadcast %mul3A_381 : i32 to vector<16xi32>
      %mul3A_383 = arith.muli %get3A_376, %mul3A_382 : vector<16xi32>
      %add3A_384 = arith.addi %mul3A_383, %get3A_380 : vector<16xi32>
      %mul3A_385 = arith.constant 16 : i32
      %mul3A_386 = arith.muli %add3A_372, %mul3A_385 : i32
      %add3A_387 = vector.broadcast %mul3A_386 : i32 to vector<16xi32>
      %add3A_388 = arith.addi %add3A_387, %iota3A : vector<16xi32>
      %ge3A_389 = vector.broadcast %mul3A_2 : i32 to vector<16xi32>
      %ge3A_390 = arith.cmpi sge, %add3A_384, %ge3A_389 : vector<16xi32>
      %add3A_391 = arith.constant 2048 : i32
      %add3A_392 = arith.addi %mul3A_2, %add3A_391 : i32
      %lt3A_393 = vector.broadcast %add3A_392 : i32 to vector<16xi32>
      %lt3A_394 = arith.cmpi slt, %add3A_384, %lt3A_393 : vector<16xi32>
      %and3A_395 = arith.andi %ge3A_390, %lt3A_394 : vector<16xi1>
      %broadcast_in_dim3A_396 = arith.constant true
      %broadcast_in_dim3A_397 = vector.broadcast %broadcast_in_dim3A_396 : i1 to vector<16xi1>
      %unique3A_398, %unique3A_399 = tpu.scan_count mask(%broadcast_in_dim3A_397 : vector<16xi1>) value(%add3A_384 : vector<16xi32>) : vector<16xi1>, vector<16xi32>
      %and3A_400 = arith.andi %and3A_395, %unique3A_398 : vector<16xi1>
      %sub3A_401 = vector.broadcast %mul3A_2 : i32 to vector<16xi32>
      %sub3A_402 = arith.subi %add3A_384, %sub3A_401 : vector<16xi32>
      %jit3A_403 = arith.constant 0 : i32
      %jit3A_404 = arith.constant 2047 : i32
      %max3A_405 = vector.broadcast %jit3A_403 : i32 to vector<16xi32>
      %max3A_406 = arith.maxsi %max3A_405, %sub3A_402 : vector<16xi32>
      %min3A_407 = vector.broadcast %jit3A_404 : i32 to vector<16xi32>
      %min3A_408 = arith.minsi %min3A_407, %max3A_406 : vector<16xi32>
      tpu.vector_store_idx %arg9[%min3A_408], %add3A_388 masked %and3A_400 : memref<2048xi32, #tpu.memory_space<vmem>>[vector<16xi32>], vector<16xi32>, vector<16xi1>
      %mul3A_409 = arith.constant 16 : i32
      %mul3A_410 = arith.muli %scan3A_172, %mul3A_409 : i32
      %add3A_411 = arith.constant 6 : i32
      %add3A_412 = arith.addi %mul3A_410, %add3A_411 : i32
      %mul3A_413 = arith.constant 16 : i32
      %mul3A_414 = arith.muli %add3A_412, %mul3A_413 : i32
      %get3A_415 = arith.index_cast %mul3A_414 : i32 to index
      %get3A_416 = tpu.vector_load %arg7[%get3A_415] {strides = array<i32>} : memref<16384xi32, #tpu.memory_space<vmem>>, vector<16xi32>,
      %mul3A_417 = arith.constant 16 : i32
      %mul3A_418 = arith.muli %add3A_412, %mul3A_417 : i32
      %get3A_419 = arith.index_cast %mul3A_418 : i32 to index
      %get3A_420 = tpu.vector_load %arg8[%get3A_419] {strides = array<i32>} : memref<16384xi32, #tpu.memory_space<vmem>>, vector<16xi32>,
      %mul3A_421 = arith.constant 16 : i32
      %mul3A_422 = vector.broadcast %mul3A_421 : i32 to vector<16xi32>
      %mul3A_423 = arith.muli %get3A_416, %mul3A_422 : vector<16xi32>
      %add3A_424 = arith.addi %mul3A_423, %get3A_420 : vector<16xi32>
      %mul3A_425 = arith.constant 16 : i32
      %mul3A_426 = arith.muli %add3A_412, %mul3A_425 : i32
      %add3A_427 = vector.broadcast %mul3A_426 : i32 to vector<16xi32>
      %add3A_428 = arith.addi %add3A_427, %iota3A : vector<16xi32>
      %ge3A_429 = vector.broadcast %mul3A_2 : i32 to vector<16xi32>
      %ge3A_430 = arith.cmpi sge, %add3A_424, %ge3A_429 : vector<16xi32>
      %add3A_431 = arith.constant 2048 : i32
      %add3A_432 = arith.addi %mul3A_2, %add3A_431 : i32
      %lt3A_433 = vector.broadcast %add3A_432 : i32 to vector<16xi32>
      %lt3A_434 = arith.cmpi slt, %add3A_424, %lt3A_433 : vector<16xi32>
      %and3A_435 = arith.andi %ge3A_430, %lt3A_434 : vector<16xi1>
      %broadcast_in_dim3A_436 = arith.constant true
      %broadcast_in_dim3A_437 = vector.broadcast %broadcast_in_dim3A_436 : i1 to vector<16xi1>
      %unique3A_438, %unique3A_439 = tpu.scan_count mask(%broadcast_in_dim3A_437 : vector<16xi1>) value(%add3A_424 : vector<16xi32>) : vector<16xi1>, vector<16xi32>
      %and3A_440 = arith.andi %and3A_435, %unique3A_438 : vector<16xi1>
      %sub3A_441 = vector.broadcast %mul3A_2 : i32 to vector<16xi32>
      %sub3A_442 = arith.subi %add3A_424, %sub3A_441 : vector<16xi32>
      %jit3A_443 = arith.constant 0 : i32
      %jit3A_444 = arith.constant 2047 : i32
      %max3A_445 = vector.broadcast %jit3A_443 : i32 to vector<16xi32>
      %max3A_446 = arith.maxsi %max3A_445, %sub3A_442 : vector<16xi32>
      %min3A_447 = vector.broadcast %jit3A_444 : i32 to vector<16xi32>
      %min3A_448 = arith.minsi %min3A_447, %max3A_446 : vector<16xi32>
      tpu.vector_store_idx %arg9[%min3A_448], %add3A_428 masked %and3A_440 : memref<2048xi32, #tpu.memory_space<vmem>>[vector<16xi32>], vector<16xi32>, vector<16xi1>
      %mul3A_449 = arith.constant 16 : i32
      %mul3A_450 = arith.muli %scan3A_172, %mul3A_449 : i32
      %add3A_451 = arith.constant 7 : i32
      %add3A_452 = arith.addi %mul3A_450, %add3A_451 : i32
      %mul3A_453 = arith.constant 16 : i32
      %mul3A_454 = arith.muli %add3A_452, %mul3A_453 : i32
      %get3A_455 = arith.index_cast %mul3A_454 : i32 to index
      %get3A_456 = tpu.vector_load %arg7[%get3A_455] {strides = array<i32>} : memref<16384xi32, #tpu.memory_space<vmem>>, vector<16xi32>,
      %mul3A_457 = arith.constant 16 : i32
      %mul3A_458 = arith.muli %add3A_452, %mul3A_457 : i32
      %get3A_459 = arith.index_cast %mul3A_458 : i32 to index
      %get3A_460 = tpu.vector_load %arg8[%get3A_459] {strides = array<i32>} : memref<16384xi32, #tpu.memory_space<vmem>>, vector<16xi32>,
      %mul3A_461 = arith.constant 16 : i32
      %mul3A_462 = vector.broadcast %mul3A_461 : i32 to vector<16xi32>
      %mul3A_463 = arith.muli %get3A_456, %mul3A_462 : vector<16xi32>
      %add3A_464 = arith.addi %mul3A_463, %get3A_460 : vector<16xi32>
      %mul3A_465 = arith.constant 16 : i32
      %mul3A_466 = arith.muli %add3A_452, %mul3A_465 : i32
      %add3A_467 = vector.broadcast %mul3A_466 : i32 to vector<16xi32>
      %add3A_468 = arith.addi %add3A_467, %iota3A : vector<16xi32>
      %ge3A_469 = vector.broadcast %mul3A_2 : i32 to vector<16xi32>
      %ge3A_470 = arith.cmpi sge, %add3A_464, %ge3A_469 : vector<16xi32>
      %add3A_471 = arith.constant 2048 : i32
      %add3A_472 = arith.addi %mul3A_2, %add3A_471 : i32
      %lt3A_473 = vector.broadcast %add3A_472 : i32 to vector<16xi32>
      %lt3A_474 = arith.cmpi slt, %add3A_464, %lt3A_473 : vector<16xi32>
      %and3A_475 = arith.andi %ge3A_470, %lt3A_474 : vector<16xi1>
      %broadcast_in_dim3A_476 = arith.constant true
      %broadcast_in_dim3A_477 = vector.broadcast %broadcast_in_dim3A_476 : i1 to vector<16xi1>
      %unique3A_478, %unique3A_479 = tpu.scan_count mask(%broadcast_in_dim3A_477 : vector<16xi1>) value(%add3A_464 : vector<16xi32>) : vector<16xi1>, vector<16xi32>
      %and3A_480 = arith.andi %and3A_475, %unique3A_478 : vector<16xi1>
      %sub3A_481 = vector.broadcast %mul3A_2 : i32 to vector<16xi32>
      %sub3A_482 = arith.subi %add3A_464, %sub3A_481 : vector<16xi32>
      %jit3A_483 = arith.constant 0 : i32
      %jit3A_484 = arith.constant 2047 : i32
      %max3A_485 = vector.broadcast %jit3A_483 : i32 to vector<16xi32>
      %max3A_486 = arith.maxsi %max3A_485, %sub3A_482 : vector<16xi32>
      %min3A_487 = vector.broadcast %jit3A_484 : i32 to vector<16xi32>
      %min3A_488 = arith.minsi %min3A_487, %max3A_486 : vector<16xi32>
      tpu.vector_store_idx %arg9[%min3A_488], %add3A_468 masked %and3A_480 : memref<2048xi32, #tpu.memory_space<vmem>>[vector<16xi32>], vector<16xi32>, vector<16xi1>
      %mul3A_489 = arith.constant 2 : i32
      %mul3A_490 = arith.muli %scan3A_172, %mul3A_489 : i32
      %add3A_491 = arith.constant 0 : i32
      %add3A_492 = arith.addi %mul3A_490, %add3A_491 : i32
      %add3A_493 = arith.addi %select_n3A, %add3A_492 : i32
      %mul3A_494 = arith.constant 16 : i32
      %mul3A_495 = arith.muli %add3A_493, %mul3A_494 : i32
      %dma_wait3A_496 = arith.constant 0 : i32
      %dma_wait3A_497 = arith.constant 0 : i32
      %dma_wait3A_498 = tpu.memref_slice %arg14[%dma_wait3A_497] : memref<2x!tpu.dma_semaphore, #tpu.memory_space<semaphore_mem>> -> memref<1x!tpu.dma_semaphore, #tpu.memory_space<semaphore_mem>>
      %dma_wait3A_499 = tpu.memref_squeeze %dma_wait3A_498 : memref<1x!tpu.dma_semaphore, #tpu.memory_space<semaphore_mem>> -> memref<!tpu.dma_semaphore, #tpu.memory_space<semaphore_mem>>
      %dma_wait3A_500 = arith.constant 0 : i32
      %dma_wait3A_501 = arith.constant 0 : i32
      %dma_wait3A_502 = tpu.memref_slice %arg13[%arg1, %dma_wait3A_496, %dma_wait3A_500, %dma_wait3A_501] : memref<16x2x16x1024xf32, #tpu.memory_space<vmem_shared>> -> memref<1x1x16x1024xf32, #tpu.memory_space<vmem_shared>>
      %dma_wait3A_503 = tpu.memref_squeeze %dma_wait3A_502 : memref<1x1x16x1024xf32, #tpu.memory_space<vmem_shared>> -> memref<16x1024xf32, #tpu.memory_space<vmem_shared>>
      %dma_wait3A_504 = arith.constant 0 : i32
      %dma_wait3A_505 = tpu.memref_slice %arg3[%mul3A_495, %dma_wait3A_504] : memref<65536x1024xf32, #tpu.memory_space<hbm>> -> memref<16x1024xf32, #tpu.memory_space<hbm>>
      tpu.wait_dma2 semaphore(%dma_wait3A_499 : memref<!tpu.dma_semaphore, #tpu.memory_space<semaphore_mem>>) src(%dma_wait3A_505 : memref<16x1024xf32, #tpu.memory_space<hbm>>) dst(%dma_wait3A_503 : memref<16x1024xf32, #tpu.memory_space<vmem_shared>>)
      %add3A_506 = arith.addi %select_n3A, %add3A_492 : i32
      %mul3A_507 = arith.constant 16 : i32
      %mul3A_508 = arith.muli %add3A_506, %mul3A_507 : i32
      %dma_start3A_509 = arith.constant 0 : i32
      %dma_start3A_510 = arith.constant 0 : i32
      %dma_start3A_511 = tpu.memref_slice %arg15[%dma_start3A_510] : memref<2x!tpu.dma_semaphore, #tpu.memory_space<semaphore_mem>> -> memref<1x!tpu.dma_semaphore, #tpu.memory_space<semaphore_mem>>
      %dma_start3A_512 = tpu.memref_squeeze %dma_start3A_511 : memref<1x!tpu.dma_semaphore, #tpu.memory_space<semaphore_mem>> -> memref<!tpu.dma_semaphore, #tpu.memory_space<semaphore_mem>>
      %dma_start3A_513 = arith.constant 0 : i32
      %dma_start3A_514 = tpu.memref_slice %arg6[%mul3A_508, %dma_start3A_513] : memref<65536x1024xf32, #tpu.memory_space<hbm>> -> memref<16x1024xf32, #tpu.memory_space<hbm>>
      %dma_start3A_515 = arith.constant 0 : i32
      %dma_start3A_516 = arith.constant 0 : i32
      %dma_start3A_517 = tpu.memref_slice %arg13[%arg1, %dma_start3A_509, %dma_start3A_515, %dma_start3A_516] : memref<16x2x16x1024xf32, #tpu.memory_space<vmem_shared>> -> memref<1x1x16x1024xf32, #tpu.memory_space<vmem_shared>>
      %dma_start3A_518 = tpu.memref_squeeze %dma_start3A_517 : memref<1x1x16x1024xf32, #tpu.memory_space<vmem_shared>> -> memref<16x1024xf32, #tpu.memory_space<vmem_shared>>
      tpu.enqueue_dma source(%dma_start3A_518 : memref<16x1024xf32, #tpu.memory_space<vmem_shared>>) target(%dma_start3A_514 : memref<16x1024xf32, #tpu.memory_space<hbm>>) target_semaphore(%dma_start3A_512 : memref<!tpu.dma_semaphore, #tpu.memory_space<semaphore_mem>>)
      %mul3A_519 = arith.constant 2 : i32
      %mul3A_520 = arith.muli %scan3A_172, %mul3A_519 : i32
      %add3A_521 = arith.constant 1 : i32
      %add3A_522 = arith.addi %mul3A_520, %add3A_521 : i32
      %add3A_523 = arith.addi %select_n3A, %add3A_522 : i32
      %mul3A_524 = arith.constant 16 : i32
      %mul3A_525 = arith.muli %add3A_523, %mul3A_524 : i32
      %dma_wait3A_526 = arith.constant 1 : i32
      %dma_wait3A_527 = arith.constant 1 : i32
      %dma_wait3A_528 = tpu.memref_slice %arg14[%dma_wait3A_527] : memref<2x!tpu.dma_semaphore, #tpu.memory_space<semaphore_mem>> -> memref<1x!tpu.dma_semaphore, #tpu.memory_space<semaphore_mem>>
      %dma_wait3A_529 = tpu.memref_squeeze %dma_wait3A_528 : memref<1x!tpu.dma_semaphore, #tpu.memory_space<semaphore_mem>> -> memref<!tpu.dma_semaphore, #tpu.memory_space<semaphore_mem>>
      %dma_wait3A_530 = arith.constant 0 : i32
      %dma_wait3A_531 = arith.constant 0 : i32
      %dma_wait3A_532 = tpu.memref_slice %arg13[%arg1, %dma_wait3A_526, %dma_wait3A_530, %dma_wait3A_531] : memref<16x2x16x1024xf32, #tpu.memory_space<vmem_shared>> -> memref<1x1x16x1024xf32, #tpu.memory_space<vmem_shared>>
      %dma_wait3A_533 = tpu.memref_squeeze %dma_wait3A_532 : memref<1x1x16x1024xf32, #tpu.memory_space<vmem_shared>> -> memref<16x1024xf32, #tpu.memory_space<vmem_shared>>
      %dma_wait3A_534 = arith.constant 0 : i32
      %dma_wait3A_535 = tpu.memref_slice %arg3[%mul3A_525, %dma_wait3A_534] : memref<65536x1024xf32, #tpu.memory_space<hbm>> -> memref<16x1024xf32, #tpu.memory_space<hbm>>
      tpu.wait_dma2 semaphore(%dma_wait3A_529 : memref<!tpu.dma_semaphore, #tpu.memory_space<semaphore_mem>>) src(%dma_wait3A_535 : memref<16x1024xf32, #tpu.memory_space<hbm>>) dst(%dma_wait3A_533 : memref<16x1024xf32, #tpu.memory_space<vmem_shared>>)
      %add3A_536 = arith.addi %select_n3A, %add3A_522 : i32
      %mul3A_537 = arith.constant 16 : i32
      %mul3A_538 = arith.muli %add3A_536, %mul3A_537 : i32
      %dma_start3A_539 = arith.constant 1 : i32
      %dma_start3A_540 = arith.constant 1 : i32
      %dma_start3A_541 = tpu.memref_slice %arg15[%dma_start3A_540] : memref<2x!tpu.dma_semaphore, #tpu.memory_space<semaphore_mem>> -> memref<1x!tpu.dma_semaphore, #tpu.memory_space<semaphore_mem>>
      %dma_start3A_542 = tpu.memref_squeeze %dma_start3A_541 : memref<1x!tpu.dma_semaphore, #tpu.memory_space<semaphore_mem>> -> memref<!tpu.dma_semaphore, #tpu.memory_space<semaphore_mem>>
      %dma_start3A_543 = arith.constant 0 : i32
      %dma_start3A_544 = tpu.memref_slice %arg6[%mul3A_538, %dma_start3A_543] : memref<65536x1024xf32, #tpu.memory_space<hbm>> -> memref<16x1024xf32, #tpu.memory_space<hbm>>
      %dma_start3A_545 = arith.constant 0 : i32
      %dma_start3A_546 = arith.constant 0 : i32
      %dma_start3A_547 = tpu.memref_slice %arg13[%arg1, %dma_start3A_539, %dma_start3A_545, %dma_start3A_546] : memref<16x2x16x1024xf32, #tpu.memory_space<vmem_shared>> -> memref<1x1x16x1024xf32, #tpu.memory_space<vmem_shared>>
      %dma_start3A_548 = tpu.memref_squeeze %dma_start3A_547 : memref<1x1x16x1024xf32, #tpu.memory_space<vmem_shared>> -> memref<16x1024xf32, #tpu.memory_space<vmem_shared>>
      tpu.enqueue_dma source(%dma_start3A_548 : memref<16x1024xf32, #tpu.memory_space<vmem_shared>>) target(%dma_start3A_544 : memref<16x1024xf32, #tpu.memory_space<hbm>>) target_semaphore(%dma_start3A_542 : memref<!tpu.dma_semaphore, #tpu.memory_space<semaphore_mem>>)
      %mul3A_549 = arith.constant 16 : i32
      %mul3A_550 = arith.muli %scan3A_172, %mul3A_549 : i32
      %add3A_551 = arith.constant 8 : i32
      %add3A_552 = arith.addi %mul3A_550, %add3A_551 : i32
      %mul3A_553 = arith.constant 16 : i32
      %mul3A_554 = arith.muli %add3A_552, %mul3A_553 : i32
      %get3A_555 = arith.index_cast %mul3A_554 : i32 to index
      %get3A_556 = tpu.vector_load %arg7[%get3A_555] {strides = array<i32>} : memref<16384xi32, #tpu.memory_space<vmem>>, vector<16xi32>,
      %mul3A_557 = arith.constant 16 : i32
      %mul3A_558 = arith.muli %add3A_552, %mul3A_557 : i32
      %get3A_559 = arith.index_cast %mul3A_558 : i32 to index
      %get3A_560 = tpu.vector_load %arg8[%get3A_559] {strides = array<i32>} : memref<16384xi32, #tpu.memory_space<vmem>>, vector<16xi32>,
      %mul3A_561 = arith.constant 16 : i32
      %mul3A_562 = vector.broadcast %mul3A_561 : i32 to vector<16xi32>
      %mul3A_563 = arith.muli %get3A_556, %mul3A_562 : vector<16xi32>
      %add3A_564 = arith.addi %mul3A_563, %get3A_560 : vector<16xi32>
      %mul3A_565 = arith.constant 16 : i32
      %mul3A_566 = arith.muli %add3A_552, %mul3A_565 : i32
      %add3A_567 = vector.broadcast %mul3A_566 : i32 to vector<16xi32>
      %add3A_568 = arith.addi %add3A_567, %iota3A : vector<16xi32>
      %ge3A_569 = vector.broadcast %mul3A_2 : i32 to vector<16xi32>
      %ge3A_570 = arith.cmpi sge, %add3A_564, %ge3A_569 : vector<16xi32>
      %add3A_571 = arith.constant 2048 : i32
      %add3A_572 = arith.addi %mul3A_2, %add3A_571 : i32
      %lt3A_573 = vector.broadcast %add3A_572 : i32 to vector<16xi32>
      %lt3A_574 = arith.cmpi slt, %add3A_564, %lt3A_573 : vector<16xi32>
      %and3A_575 = arith.andi %ge3A_570, %lt3A_574 : vector<16xi1>
      %broadcast_in_dim3A_576 = arith.constant true
      %broadcast_in_dim3A_577 = vector.broadcast %broadcast_in_dim3A_576 : i1 to vector<16xi1>
      %unique3A_578, %unique3A_579 = tpu.scan_count mask(%broadcast_in_dim3A_577 : vector<16xi1>) value(%add3A_564 : vector<16xi32>) : vector<16xi1>, vector<16xi32>
      %and3A_580 = arith.andi %and3A_575, %unique3A_578 : vector<16xi1>
      %sub3A_581 = vector.broadcast %mul3A_2 : i32 to vector<16xi32>
      %sub3A_582 = arith.subi %add3A_564, %sub3A_581 : vector<16xi32>
      %jit3A_583 = arith.constant 0 : i32
      %jit3A_584 = arith.constant 2047 : i32
      %max3A_585 = vector.broadcast %jit3A_583 : i32 to vector<16xi32>
      %max3A_586 = arith.maxsi %max3A_585, %sub3A_582 : vector<16xi32>
      %min3A_587 = vector.broadcast %jit3A_584 : i32 to vector<16xi32>
      %min3A_588 = arith.minsi %min3A_587, %max3A_586 : vector<16xi32>
      tpu.vector_store_idx %arg9[%min3A_588], %add3A_568 masked %and3A_580 : memref<2048xi32, #tpu.memory_space<vmem>>[vector<16xi32>], vector<16xi32>, vector<16xi1>
      %mul3A_589 = arith.constant 16 : i32
      %mul3A_590 = arith.muli %scan3A_172, %mul3A_589 : i32
      %add3A_591 = arith.constant 9 : i32
      %add3A_592 = arith.addi %mul3A_590, %add3A_591 : i32
      %mul3A_593 = arith.constant 16 : i32
      %mul3A_594 = arith.muli %add3A_592, %mul3A_593 : i32
      %get3A_595 = arith.index_cast %mul3A_594 : i32 to index
      %get3A_596 = tpu.vector_load %arg7[%get3A_595] {strides = array<i32>} : memref<16384xi32, #tpu.memory_space<vmem>>, vector<16xi32>,
      %mul3A_597 = arith.constant 16 : i32
      %mul3A_598 = arith.muli %add3A_592, %mul3A_597 : i32
      %get3A_599 = arith.index_cast %mul3A_598 : i32 to index
      %get3A_600 = tpu.vector_load %arg8[%get3A_599] {strides = array<i32>} : memref<16384xi32, #tpu.memory_space<vmem>>, vector<16xi32>,
      %mul3A_601 = arith.constant 16 : i32
      %mul3A_602 = vector.broadcast %mul3A_601 : i32 to vector<16xi32>
      %mul3A_603 = arith.muli %get3A_596, %mul3A_602 : vector<16xi32>
      %add3A_604 = arith.addi %mul3A_603, %get3A_600 : vector<16xi32>
      %mul3A_605 = arith.constant 16 : i32
      %mul3A_606 = arith.muli %add3A_592, %mul3A_605 : i32
      %add3A_607 = vector.broadcast %mul3A_606 : i32 to vector<16xi32>
      %add3A_608 = arith.addi %add3A_607, %iota3A : vector<16xi32>
      %ge3A_609 = vector.broadcast %mul3A_2 : i32 to vector<16xi32>
      %ge3A_610 = arith.cmpi sge, %add3A_604, %ge3A_609 : vector<16xi32>
      %add3A_611 = arith.constant 2048 : i32
      %add3A_612 = arith.addi %mul3A_2, %add3A_611 : i32
      %lt3A_613 = vector.broadcast %add3A_612 : i32 to vector<16xi32>
      %lt3A_614 = arith.cmpi slt, %add3A_604, %lt3A_613 : vector<16xi32>
      %and3A_615 = arith.andi %ge3A_610, %lt3A_614 : vector<16xi1>
      %broadcast_in_dim3A_616 = arith.constant true
      %broadcast_in_dim3A_617 = vector.broadcast %broadcast_in_dim3A_616 : i1 to vector<16xi1>
      %unique3A_618, %unique3A_619 = tpu.scan_count mask(%broadcast_in_dim3A_617 : vector<16xi1>) value(%add3A_604 : vector<16xi32>) : vector<16xi1>, vector<16xi32>
      %and3A_620 = arith.andi %and3A_615, %unique3A_618 : vector<16xi1>
      %sub3A_621 = vector.broadcast %mul3A_2 : i32 to vector<16xi32>
      %sub3A_622 = arith.subi %add3A_604, %sub3A_621 : vector<16xi32>
      %jit3A_623 = arith.constant 0 : i32
      %jit3A_624 = arith.constant 2047 : i32
      %max3A_625 = vector.broadcast %jit3A_623 : i32 to vector<16xi32>
      %max3A_626 = arith.maxsi %max3A_625, %sub3A_622 : vector<16xi32>
      %min3A_627 = vector.broadcast %jit3A_624 : i32 to vector<16xi32>
      %min3A_628 = arith.minsi %min3A_627, %max3A_626 : vector<16xi32>
      tpu.vector_store_idx %arg9[%min3A_628], %add3A_608 masked %and3A_620 : memref<2048xi32, #tpu.memory_space<vmem>>[vector<16xi32>], vector<16xi32>, vector<16xi1>
      %mul3A_629 = arith.constant 16 : i32
      %mul3A_630 = arith.muli %scan3A_172, %mul3A_629 : i32
      %add3A_631 = arith.constant 10 : i32
      %add3A_632 = arith.addi %mul3A_630, %add3A_631 : i32
      %mul3A_633 = arith.constant 16 : i32
      %mul3A_634 = arith.muli %add3A_632, %mul3A_633 : i32
      %get3A_635 = arith.index_cast %mul3A_634 : i32 to index
      %get3A_636 = tpu.vector_load %arg7[%get3A_635] {strides = array<i32>} : memref<16384xi32, #tpu.memory_space<vmem>>, vector<16xi32>,
      %mul3A_637 = arith.constant 16 : i32
      %mul3A_638 = arith.muli %add3A_632, %mul3A_637 : i32
      %get3A_639 = arith.index_cast %mul3A_638 : i32 to index
      %get3A_640 = tpu.vector_load %arg8[%get3A_639] {strides = array<i32>} : memref<16384xi32, #tpu.memory_space<vmem>>, vector<16xi32>,
      %mul3A_641 = arith.constant 16 : i32
      %mul3A_642 = vector.broadcast %mul3A_641 : i32 to vector<16xi32>
      %mul3A_643 = arith.muli %get3A_636, %mul3A_642 : vector<16xi32>
      %add3A_644 = arith.addi %mul3A_643, %get3A_640 : vector<16xi32>
      %mul3A_645 = arith.constant 16 : i32
      %mul3A_646 = arith.muli %add3A_632, %mul3A_645 : i32
      %add3A_647 = vector.broadcast %mul3A_646 : i32 to vector<16xi32>
      %add3A_648 = arith.addi %add3A_647, %iota3A : vector<16xi32>
      %ge3A_649 = vector.broadcast %mul3A_2 : i32 to vector<16xi32>
      %ge3A_650 = arith.cmpi sge, %add3A_644, %ge3A_649 : vector<16xi32>
      %add3A_651 = arith.constant 2048 : i32
      %add3A_652 = arith.addi %mul3A_2, %add3A_651 : i32
      %lt3A_653 = vector.broadcast %add3A_652 : i32 to vector<16xi32>
      %lt3A_654 = arith.cmpi slt, %add3A_644, %lt3A_653 : vector<16xi32>
      %and3A_655 = arith.andi %ge3A_650, %lt3A_654 : vector<16xi1>
      %broadcast_in_dim3A_656 = arith.constant true
      %broadcast_in_dim3A_657 = vector.broadcast %broadcast_in_dim3A_656 : i1 to vector<16xi1>
      %unique3A_658, %unique3A_659 = tpu.scan_count mask(%broadcast_in_dim3A_657 : vector<16xi1>) value(%add3A_644 : vector<16xi32>) : vector<16xi1>, vector<16xi32>
      %and3A_660 = arith.andi %and3A_655, %unique3A_658 : vector<16xi1>
      %sub3A_661 = vector.broadcast %mul3A_2 : i32 to vector<16xi32>
      %sub3A_662 = arith.subi %add3A_644, %sub3A_661 : vector<16xi32>
      %jit3A_663 = arith.constant 0 : i32
      %jit3A_664 = arith.constant 2047 : i32
      %max3A_665 = vector.broadcast %jit3A_663 : i32 to vector<16xi32>
      %max3A_666 = arith.maxsi %max3A_665, %sub3A_662 : vector<16xi32>
      %min3A_667 = vector.broadcast %jit3A_664 : i32 to vector<16xi32>
      %min3A_668 = arith.minsi %min3A_667, %max3A_666 : vector<16xi32>
      tpu.vector_store_idx %arg9[%min3A_668], %add3A_648 masked %and3A_660 : memref<2048xi32, #tpu.memory_space<vmem>>[vector<16xi32>], vector<16xi32>, vector<16xi1>
      %mul3A_669 = arith.constant 16 : i32
      %mul3A_670 = arith.muli %scan3A_172, %mul3A_669 : i32
      %add3A_671 = arith.constant 11 : i32
      %add3A_672 = arith.addi %mul3A_670, %add3A_671 : i32
      %mul3A_673 = arith.constant 16 : i32
      %mul3A_674 = arith.muli %add3A_672, %mul3A_673 : i32
      %get3A_675 = arith.index_cast %mul3A_674 : i32 to index
      %get3A_676 = tpu.vector_load %arg7[%get3A_675] {strides = array<i32>} : memref<16384xi32, #tpu.memory_space<vmem>>, vector<16xi32>,
      %mul3A_677 = arith.constant 16 : i32
      %mul3A_678 = arith.muli %add3A_672, %mul3A_677 : i32
      %get3A_679 = arith.index_cast %mul3A_678 : i32 to index
      %get3A_680 = tpu.vector_load %arg8[%get3A_679] {strides = array<i32>} : memref<16384xi32, #tpu.memory_space<vmem>>, vector<16xi32>,
      %mul3A_681 = arith.constant 16 : i32
      %mul3A_682 = vector.broadcast %mul3A_681 : i32 to vector<16xi32>
      %mul3A_683 = arith.muli %get3A_676, %mul3A_682 : vector<16xi32>
      %add3A_684 = arith.addi %mul3A_683, %get3A_680 : vector<16xi32>
      %mul3A_685 = arith.constant 16 : i32
      %mul3A_686 = arith.muli %add3A_672, %mul3A_685 : i32
      %add3A_687 = vector.broadcast %mul3A_686 : i32 to vector<16xi32>
      %add3A_688 = arith.addi %add3A_687, %iota3A : vector<16xi32>
      %ge3A_689 = vector.broadcast %mul3A_2 : i32 to vector<16xi32>
      %ge3A_690 = arith.cmpi sge, %add3A_684, %ge3A_689 : vector<16xi32>
      %add3A_691 = arith.constant 2048 : i32
      %add3A_692 = arith.addi %mul3A_2, %add3A_691 : i32
      %lt3A_693 = vector.broadcast %add3A_692 : i32 to vector<16xi32>
      %lt3A_694 = arith.cmpi slt, %add3A_684, %lt3A_693 : vector<16xi32>
      %and3A_695 = arith.andi %ge3A_690, %lt3A_694 : vector<16xi1>
      %broadcast_in_dim3A_696 = arith.constant true
      %broadcast_in_dim3A_697 = vector.broadcast %broadcast_in_dim3A_696 : i1 to vector<16xi1>
      %unique3A_698, %unique3A_699 = tpu.scan_count mask(%broadcast_in_dim3A_697 : vector<16xi1>) value(%add3A_684 : vector<16xi32>) : vector<16xi1>, vector<16xi32>
      %and3A_700 = arith.andi %and3A_695, %unique3A_698 : vector<16xi1>
      %sub3A_701 = vector.broadcast %mul3A_2 : i32 to vector<16xi32>
      %sub3A_702 = arith.subi %add3A_684, %sub3A_701 : vector<16xi32>
      %jit3A_703 = arith.constant 0 : i32
      %jit3A_704 = arith.constant 2047 : i32
      %max3A_705 = vector.broadcast %jit3A_703 : i32 to vector<16xi32>
      %max3A_706 = arith.maxsi %max3A_705, %sub3A_702 : vector<16xi32>
      %min3A_707 = vector.broadcast %jit3A_704 : i32 to vector<16xi32>
      %min3A_708 = arith.minsi %min3A_707, %max3A_706 : vector<16xi32>
      tpu.vector_store_idx %arg9[%min3A_708], %add3A_688 masked %and3A_700 : memref<2048xi32, #tpu.memory_space<vmem>>[vector<16xi32>], vector<16xi32>, vector<16xi1>
      %mul3A_709 = arith.constant 16 : i32
      %mul3A_710 = arith.muli %scan3A_172, %mul3A_709 : i32
      %add3A_711 = arith.constant 12 : i32
      %add3A_712 = arith.addi %mul3A_710, %add3A_711 : i32
      %mul3A_713 = arith.constant 16 : i32
      %mul3A_714 = arith.muli %add3A_712, %mul3A_713 : i32
      %get3A_715 = arith.index_cast %mul3A_714 : i32 to index
      %get3A_716 = tpu.vector_load %arg7[%get3A_715] {strides = array<i32>} : memref<16384xi32, #tpu.memory_space<vmem>>, vector<16xi32>,
      %mul3A_717 = arith.constant 16 : i32
      %mul3A_718 = arith.muli %add3A_712, %mul3A_717 : i32
      %get3A_719 = arith.index_cast %mul3A_718 : i32 to index
      %get3A_720 = tpu.vector_load %arg8[%get3A_719] {strides = array<i32>} : memref<16384xi32, #tpu.memory_space<vmem>>, vector<16xi32>,
      %mul3A_721 = arith.constant 16 : i32
      %mul3A_722 = vector.broadcast %mul3A_721 : i32 to vector<16xi32>
      %mul3A_723 = arith.muli %get3A_716, %mul3A_722 : vector<16xi32>
      %add3A_724 = arith.addi %mul3A_723, %get3A_720 : vector<16xi32>
      %mul3A_725 = arith.constant 16 : i32
      %mul3A_726 = arith.muli %add3A_712, %mul3A_725 : i32
      %add3A_727 = vector.broadcast %mul3A_726 : i32 to vector<16xi32>
      %add3A_728 = arith.addi %add3A_727, %iota3A : vector<16xi32>
      %ge3A_729 = vector.broadcast %mul3A_2 : i32 to vector<16xi32>
      %ge3A_730 = arith.cmpi sge, %add3A_724, %ge3A_729 : vector<16xi32>
      %add3A_731 = arith.constant 2048 : i32
      %add3A_732 = arith.addi %mul3A_2, %add3A_731 : i32
      %lt3A_733 = vector.broadcast %add3A_732 : i32 to vector<16xi32>
      %lt3A_734 = arith.cmpi slt, %add3A_724, %lt3A_733 : vector<16xi32>
      %and3A_735 = arith.andi %ge3A_730, %lt3A_734 : vector<16xi1>
      %broadcast_in_dim3A_736 = arith.constant true
      %broadcast_in_dim3A_737 = vector.broadcast %broadcast_in_dim3A_736 : i1 to vector<16xi1>
      %unique3A_738, %unique3A_739 = tpu.scan_count mask(%broadcast_in_dim3A_737 : vector<16xi1>) value(%add3A_724 : vector<16xi32>) : vector<16xi1>, vector<16xi32>
      %and3A_740 = arith.andi %and3A_735, %unique3A_738 : vector<16xi1>
      %sub3A_741 = vector.broadcast %mul3A_2 : i32 to vector<16xi32>
      %sub3A_742 = arith.subi %add3A_724, %sub3A_741 : vector<16xi32>
      %jit3A_743 = arith.constant 0 : i32
      %jit3A_744 = arith.constant 2047 : i32
      %max3A_745 = vector.broadcast %jit3A_743 : i32 to vector<16xi32>
      %max3A_746 = arith.maxsi %max3A_745, %sub3A_742 : vector<16xi32>
      %min3A_747 = vector.broadcast %jit3A_744 : i32 to vector<16xi32>
      %min3A_748 = arith.minsi %min3A_747, %max3A_746 : vector<16xi32>
      tpu.vector_store_idx %arg9[%min3A_748], %add3A_728 masked %and3A_740 : memref<2048xi32, #tpu.memory_space<vmem>>[vector<16xi32>], vector<16xi32>, vector<16xi1>
      %mul3A_749 = arith.constant 16 : i32
      %mul3A_750 = arith.muli %scan3A_172, %mul3A_749 : i32
      %add3A_751 = arith.constant 13 : i32
      %add3A_752 = arith.addi %mul3A_750, %add3A_751 : i32
      %mul3A_753 = arith.constant 16 : i32
      %mul3A_754 = arith.muli %add3A_752, %mul3A_753 : i32
      %get3A_755 = arith.index_cast %mul3A_754 : i32 to index
      %get3A_756 = tpu.vector_load %arg7[%get3A_755] {strides = array<i32>} : memref<16384xi32, #tpu.memory_space<vmem>>, vector<16xi32>,
      %mul3A_757 = arith.constant 16 : i32
      %mul3A_758 = arith.muli %add3A_752, %mul3A_757 : i32
      %get3A_759 = arith.index_cast %mul3A_758 : i32 to index
      %get3A_760 = tpu.vector_load %arg8[%get3A_759] {strides = array<i32>} : memref<16384xi32, #tpu.memory_space<vmem>>, vector<16xi32>,
      %mul3A_761 = arith.constant 16 : i32
      %mul3A_762 = vector.broadcast %mul3A_761 : i32 to vector<16xi32>
      %mul3A_763 = arith.muli %get3A_756, %mul3A_762 : vector<16xi32>
      %add3A_764 = arith.addi %mul3A_763, %get3A_760 : vector<16xi32>
      %mul3A_765 = arith.constant 16 : i32
      %mul3A_766 = arith.muli %add3A_752, %mul3A_765 : i32
      %add3A_767 = vector.broadcast %mul3A_766 : i32 to vector<16xi32>
      %add3A_768 = arith.addi %add3A_767, %iota3A : vector<16xi32>
      %ge3A_769 = vector.broadcast %mul3A_2 : i32 to vector<16xi32>
      %ge3A_770 = arith.cmpi sge, %add3A_764, %ge3A_769 : vector<16xi32>
      %add3A_771 = arith.constant 2048 : i32
      %add3A_772 = arith.addi %mul3A_2, %add3A_771 : i32
      %lt3A_773 = vector.broadcast %add3A_772 : i32 to vector<16xi32>
      %lt3A_774 = arith.cmpi slt, %add3A_764, %lt3A_773 : vector<16xi32>
      %and3A_775 = arith.andi %ge3A_770, %lt3A_774 : vector<16xi1>
      %broadcast_in_dim3A_776 = arith.constant true
      %broadcast_in_dim3A_777 = vector.broadcast %broadcast_in_dim3A_776 : i1 to vector<16xi1>
      %unique3A_778, %unique3A_779 = tpu.scan_count mask(%broadcast_in_dim3A_777 : vector<16xi1>) value(%add3A_764 : vector<16xi32>) : vector<16xi1>, vector<16xi32>
      %and3A_780 = arith.andi %and3A_775, %unique3A_778 : vector<16xi1>
      %sub3A_781 = vector.broadcast %mul3A_2 : i32 to vector<16xi32>
      %sub3A_782 = arith.subi %add3A_764, %sub3A_781 : vector<16xi32>
      %jit3A_783 = arith.constant 0 : i32
      %jit3A_784 = arith.constant 2047 : i32
      %max3A_785 = vector.broadcast %jit3A_783 : i32 to vector<16xi32>
      %max3A_786 = arith.maxsi %max3A_785, %sub3A_782 : vector<16xi32>
      %min3A_787 = vector.broadcast %jit3A_784 : i32 to vector<16xi32>
      %min3A_788 = arith.minsi %min3A_787, %max3A_786 : vector<16xi32>
      tpu.vector_store_idx %arg9[%min3A_788], %add3A_768 masked %and3A_780 : memref<2048xi32, #tpu.memory_space<vmem>>[vector<16xi32>], vector<16xi32>, vector<16xi1>
      %mul3A_789 = arith.constant 16 : i32
      %mul3A_790 = arith.muli %scan3A_172, %mul3A_789 : i32
      %add3A_791 = arith.constant 14 : i32
      %add3A_792 = arith.addi %mul3A_790, %add3A_791 : i32
      %mul3A_793 = arith.constant 16 : i32
      %mul3A_794 = arith.muli %add3A_792, %mul3A_793 : i32
      %get3A_795 = arith.index_cast %mul3A_794 : i32 to index
      %get3A_796 = tpu.vector_load %arg7[%get3A_795] {strides = array<i32>} : memref<16384xi32, #tpu.memory_space<vmem>>, vector<16xi32>,
      %mul3A_797 = arith.constant 16 : i32
      %mul3A_798 = arith.muli %add3A_792, %mul3A_797 : i32
      %get3A_799 = arith.index_cast %mul3A_798 : i32 to index
      %get3A_800 = tpu.vector_load %arg8[%get3A_799] {strides = array<i32>} : memref<16384xi32, #tpu.memory_space<vmem>>, vector<16xi32>,
      %mul3A_801 = arith.constant 16 : i32
      %mul3A_802 = vector.broadcast %mul3A_801 : i32 to vector<16xi32>
      %mul3A_803 = arith.muli %get3A_796, %mul3A_802 : vector<16xi32>
      %add3A_804 = arith.addi %mul3A_803, %get3A_800 : vector<16xi32>
      %mul3A_805 = arith.constant 16 : i32
      %mul3A_806 = arith.muli %add3A_792, %mul3A_805 : i32
      %add3A_807 = vector.broadcast %mul3A_806 : i32 to vector<16xi32>
      %add3A_808 = arith.addi %add3A_807, %iota3A : vector<16xi32>
      %ge3A_809 = vector.broadcast %mul3A_2 : i32 to vector<16xi32>
      %ge3A_810 = arith.cmpi sge, %add3A_804, %ge3A_809 : vector<16xi32>
      %add3A_811 = arith.constant 2048 : i32
      %add3A_812 = arith.addi %mul3A_2, %add3A_811 : i32
      %lt3A_813 = vector.broadcast %add3A_812 : i32 to vector<16xi32>
      %lt3A_814 = arith.cmpi slt, %add3A_804, %lt3A_813 : vector<16xi32>
      %and3A_815 = arith.andi %ge3A_810, %lt3A_814 : vector<16xi1>
      %broadcast_in_dim3A_816 = arith.constant true
      %broadcast_in_dim3A_817 = vector.broadcast %broadcast_in_dim3A_816 : i1 to vector<16xi1>
      %unique3A_818, %unique3A_819 = tpu.scan_count mask(%broadcast_in_dim3A_817 : vector<16xi1>) value(%add3A_804 : vector<16xi32>) : vector<16xi1>, vector<16xi32>
      %and3A_820 = arith.andi %and3A_815, %unique3A_818 : vector<16xi1>
      %sub3A_821 = vector.broadcast %mul3A_2 : i32 to vector<16xi32>
      %sub3A_822 = arith.subi %add3A_804, %sub3A_821 : vector<16xi32>
      %jit3A_823 = arith.constant 0 : i32
      %jit3A_824 = arith.constant 2047 : i32
      %max3A_825 = vector.broadcast %jit3A_823 : i32 to vector<16xi32>
      %max3A_826 = arith.maxsi %max3A_825, %sub3A_822 : vector<16xi32>
      %min3A_827 = vector.broadcast %jit3A_824 : i32 to vector<16xi32>
      %min3A_828 = arith.minsi %min3A_827, %max3A_826 : vector<16xi32>
      tpu.vector_store_idx %arg9[%min3A_828], %add3A_808 masked %and3A_820 : memref<2048xi32, #tpu.memory_space<vmem>>[vector<16xi32>], vector<16xi32>, vector<16xi1>
      %mul3A_829 = arith.constant 16 : i32
      %mul3A_830 = arith.muli %scan3A_172, %mul3A_829 : i32
      %add3A_831 = arith.constant 15 : i32
      %add3A_832 = arith.addi %mul3A_830, %add3A_831 : i32
      %mul3A_833 = arith.constant 16 : i32
      %mul3A_834 = arith.muli %add3A_832, %mul3A_833 : i32
      %get3A_835 = arith.index_cast %mul3A_834 : i32 to index
      %get3A_836 = tpu.vector_load %arg7[%get3A_835] {strides = array<i32>} : memref<16384xi32, #tpu.memory_space<vmem>>, vector<16xi32>,
      %mul3A_837 = arith.constant 16 : i32
      %mul3A_838 = arith.muli %add3A_832, %mul3A_837 : i32
      %get3A_839 = arith.index_cast %mul3A_838 : i32 to index
      %get3A_840 = tpu.vector_load %arg8[%get3A_839] {strides = array<i32>} : memref<16384xi32, #tpu.memory_space<vmem>>, vector<16xi32>,
      %mul3A_841 = arith.constant 16 : i32
      %mul3A_842 = vector.broadcast %mul3A_841 : i32 to vector<16xi32>
      %mul3A_843 = arith.muli %get3A_836, %mul3A_842 : vector<16xi32>
      %add3A_844 = arith.addi %mul3A_843, %get3A_840 : vector<16xi32>
      %mul3A_845 = arith.constant 16 : i32
      %mul3A_846 = arith.muli %add3A_832, %mul3A_845 : i32
      %add3A_847 = vector.broadcast %mul3A_846 : i32 to vector<16xi32>
      %add3A_848 = arith.addi %add3A_847, %iota3A : vector<16xi32>
      %ge3A_849 = vector.broadcast %mul3A_2 : i32 to vector<16xi32>
      %ge3A_850 = arith.cmpi sge, %add3A_844, %ge3A_849 : vector<16xi32>
      %add3A_851 = arith.constant 2048 : i32
      %add3A_852 = arith.addi %mul3A_2, %add3A_851 : i32
      %lt3A_853 = vector.broadcast %add3A_852 : i32 to vector<16xi32>
      %lt3A_854 = arith.cmpi slt, %add3A_844, %lt3A_853 : vector<16xi32>
      %and3A_855 = arith.andi %ge3A_850, %lt3A_854 : vector<16xi1>
      %broadcast_in_dim3A_856 = arith.constant true
      %broadcast_in_dim3A_857 = vector.broadcast %broadcast_in_dim3A_856 : i1 to vector<16xi1>
      %unique3A_858, %unique3A_859 = tpu.scan_count mask(%broadcast_in_dim3A_857 : vector<16xi1>) value(%add3A_844 : vector<16xi32>) : vector<16xi1>, vector<16xi32>
      %and3A_860 = arith.andi %and3A_855, %unique3A_858 : vector<16xi1>
      %sub3A_861 = vector.broadcast %mul3A_2 : i32 to vector<16xi32>
      %sub3A_862 = arith.subi %add3A_844, %sub3A_861 : vector<16xi32>
      %jit3A_863 = arith.constant 0 : i32
      %jit3A_864 = arith.constant 2047 : i32
      %max3A_865 = vector.broadcast %jit3A_863 : i32 to vector<16xi32>
      %max3A_866 = arith.maxsi %max3A_865, %sub3A_862 : vector<16xi32>
      %min3A_867 = vector.broadcast %jit3A_864 : i32 to vector<16xi32>
      %min3A_868 = arith.minsi %min3A_867, %max3A_866 : vector<16xi32>
      tpu.vector_store_idx %arg9[%min3A_868], %add3A_848 masked %and3A_860 : memref<2048xi32, #tpu.memory_space<vmem>>[vector<16xi32>], vector<16xi32>, vector<16xi1>
      %mul3A_869 = arith.constant 2 : i32
      %mul3A_870 = arith.muli %scan3A_172, %mul3A_869 : i32
      %add3A_871 = arith.constant 0 : i32
      %add3A_872 = arith.addi %mul3A_870, %add3A_871 : i32
      %add3A_873 = arith.constant 2 : i32
      %add3A_874 = arith.addi %add3A_872, %add3A_873 : i32
      %min3A_875 = arith.constant 127 : i32
      %min3A_876 = arith.minsi %add3A_874, %min3A_875 : i32
      %add3A_877 = arith.addi %select_n3A, %min3A_876 : i32
      %mul3A_878 = arith.constant 16 : i32
      %mul3A_879 = arith.muli %add3A_877, %mul3A_878 : i32
      %dma_wait3A_880 = arith.constant 0 : i32
      %dma_wait3A_881 = arith.constant 0 : i32
      %dma_wait3A_882 = tpu.memref_slice %arg15[%dma_wait3A_881] : memref<2x!tpu.dma_semaphore, #tpu.memory_space<semaphore_mem>> -> memref<1x!tpu.dma_semaphore, #tpu.memory_space<semaphore_mem>>
      %dma_wait3A_883 = tpu.memref_squeeze %dma_wait3A_882 : memref<1x!tpu.dma_semaphore, #tpu.memory_space<semaphore_mem>> -> memref<!tpu.dma_semaphore, #tpu.memory_space<semaphore_mem>>
      %dma_wait3A_884 = arith.constant 0 : i32
      %dma_wait3A_885 = tpu.memref_slice %arg6[%mul3A_879, %dma_wait3A_884] : memref<65536x1024xf32, #tpu.memory_space<hbm>> -> memref<16x1024xf32, #tpu.memory_space<hbm>>
      %dma_wait3A_886 = arith.constant 0 : i32
      %dma_wait3A_887 = arith.constant 0 : i32
      %dma_wait3A_888 = tpu.memref_slice %arg13[%arg1, %dma_wait3A_880, %dma_wait3A_886, %dma_wait3A_887] : memref<16x2x16x1024xf32, #tpu.memory_space<vmem_shared>> -> memref<1x1x16x1024xf32, #tpu.memory_space<vmem_shared>>
      %dma_wait3A_889 = tpu.memref_squeeze %dma_wait3A_888 : memref<1x1x16x1024xf32, #tpu.memory_space<vmem_shared>> -> memref<16x1024xf32, #tpu.memory_space<vmem_shared>>
      tpu.wait_dma2 semaphore(%dma_wait3A_883 : memref<!tpu.dma_semaphore, #tpu.memory_space<semaphore_mem>>) src(%dma_wait3A_889 : memref<16x1024xf32, #tpu.memory_space<vmem_shared>>) dst(%dma_wait3A_885 : memref<16x1024xf32, #tpu.memory_space<hbm>>)
      %add3A_890 = arith.addi %select_n3A, %min3A_876 : i32
      %mul3A_891 = arith.constant 16 : i32
      %mul3A_892 = arith.muli %add3A_890, %mul3A_891 : i32
      %dma_start3A_893 = arith.constant 0 : i32
      %dma_start3A_894 = arith.constant 0 : i32
      %dma_start3A_895 = tpu.memref_slice %arg14[%dma_start3A_894] : memref<2x!tpu.dma_semaphore, #tpu.memory_space<semaphore_mem>> -> memref<1x!tpu.dma_semaphore, #tpu.memory_space<semaphore_mem>>
      %dma_start3A_896 = tpu.memref_squeeze %dma_start3A_895 : memref<1x!tpu.dma_semaphore, #tpu.memory_space<semaphore_mem>> -> memref<!tpu.dma_semaphore, #tpu.memory_space<semaphore_mem>>
      %dma_start3A_897 = arith.constant 0 : i32
      %dma_start3A_898 = arith.constant 0 : i32
      %dma_start3A_899 = tpu.memref_slice %arg13[%arg1, %dma_start3A_893, %dma_start3A_897, %dma_start3A_898] : memref<16x2x16x1024xf32, #tpu.memory_space<vmem_shared>> -> memref<1x1x16x1024xf32, #tpu.memory_space<vmem_shared>>
      %dma_start3A_900 = tpu.memref_squeeze %dma_start3A_899 : memref<1x1x16x1024xf32, #tpu.memory_space<vmem_shared>> -> memref<16x1024xf32, #tpu.memory_space<vmem_shared>>
      %dma_start3A_901 = arith.constant 0 : i32
      %dma_start3A_902 = tpu.memref_slice %arg3[%mul3A_892, %dma_start3A_901] : memref<65536x1024xf32, #tpu.memory_space<hbm>> -> memref<16x1024xf32, #tpu.memory_space<hbm>>
      tpu.enqueue_dma source(%dma_start3A_902 : memref<16x1024xf32, #tpu.memory_space<hbm>>) target(%dma_start3A_900 : memref<16x1024xf32, #tpu.memory_space<vmem_shared>>) target_semaphore(%dma_start3A_896 : memref<!tpu.dma_semaphore, #tpu.memory_space<semaphore_mem>>)
      %mul3A_903 = arith.constant 2 : i32
      %mul3A_904 = arith.muli %scan3A_172, %mul3A_903 : i32
      %add3A_905 = arith.constant 1 : i32
      %add3A_906 = arith.addi %mul3A_904, %add3A_905 : i32
      %add3A_907 = arith.constant 2 : i32
      %add3A_908 = arith.addi %add3A_906, %add3A_907 : i32
      %min3A_909 = arith.constant 127 : i32
      %min3A_910 = arith.minsi %add3A_908, %min3A_909 : i32
      %add3A_911 = arith.addi %select_n3A, %min3A_910 : i32
      %mul3A_912 = arith.constant 16 : i32
      %mul3A_913 = arith.muli %add3A_911, %mul3A_912 : i32
      %dma_wait3A_914 = arith.constant 1 : i32
      %dma_wait3A_915 = arith.constant 1 : i32
      %dma_wait3A_916 = tpu.memref_slice %arg15[%dma_wait3A_915] : memref<2x!tpu.dma_semaphore, #tpu.memory_space<semaphore_mem>> -> memref<1x!tpu.dma_semaphore, #tpu.memory_space<semaphore_mem>>
      %dma_wait3A_917 = tpu.memref_squeeze %dma_wait3A_916 : memref<1x!tpu.dma_semaphore, #tpu.memory_space<semaphore_mem>> -> memref<!tpu.dma_semaphore, #tpu.memory_space<semaphore_mem>>
      %dma_wait3A_918 = arith.constant 0 : i32
      %dma_wait3A_919 = tpu.memref_slice %arg6[%mul3A_913, %dma_wait3A_918] : memref<65536x1024xf32, #tpu.memory_space<hbm>> -> memref<16x1024xf32, #tpu.memory_space<hbm>>
      %dma_wait3A_920 = arith.constant 0 : i32
      %dma_wait3A_921 = arith.constant 0 : i32
      %dma_wait3A_922 = tpu.memref_slice %arg13[%arg1, %dma_wait3A_914, %dma_wait3A_920, %dma_wait3A_921] : memref<16x2x16x1024xf32, #tpu.memory_space<vmem_shared>> -> memref<1x1x16x1024xf32, #tpu.memory_space<vmem_shared>>
      %dma_wait3A_923 = tpu.memref_squeeze %dma_wait3A_922 : memref<1x1x16x1024xf32, #tpu.memory_space<vmem_shared>> -> memref<16x1024xf32, #tpu.memory_space<vmem_shared>>
      tpu.wait_dma2 semaphore(%dma_wait3A_917 : memref<!tpu.dma_semaphore, #tpu.memory_space<semaphore_mem>>) src(%dma_wait3A_923 : memref<16x1024xf32, #tpu.memory_space<vmem_shared>>) dst(%dma_wait3A_919 : memref<16x1024xf32, #tpu.memory_space<hbm>>)
      %add3A_924 = arith.addi %select_n3A, %min3A_910 : i32
      %mul3A_925 = arith.constant 16 : i32
      %mul3A_926 = arith.muli %add3A_924, %mul3A_925 : i32
      %dma_start3A_927 = arith.constant 1 : i32
      %dma_start3A_928 = arith.constant 1 : i32
      %dma_start3A_929 = tpu.memref_slice %arg14[%dma_start3A_928] : memref<2x!tpu.dma_semaphore, #tpu.memory_space<semaphore_mem>> -> memref<1x!tpu.dma_semaphore, #tpu.memory_space<semaphore_mem>>
      %dma_start3A_930 = tpu.memref_squeeze %dma_start3A_929 : memref<1x!tpu.dma_semaphore, #tpu.memory_space<semaphore_mem>> -> memref<!tpu.dma_semaphore, #tpu.memory_space<semaphore_mem>>
      %dma_start3A_931 = arith.constant 0 : i32
      %dma_start3A_932 = arith.constant 0 : i32
      %dma_start3A_933 = tpu.memref_slice %arg13[%arg1, %dma_start3A_927, %dma_start3A_931, %dma_start3A_932] : memref<16x2x16x1024xf32, #tpu.memory_space<vmem_shared>> -> memref<1x1x16x1024xf32, #tpu.memory_space<vmem_shared>>
      %dma_start3A_934 = tpu.memref_squeeze %dma_start3A_933 : memref<1x1x16x1024xf32, #tpu.memory_space<vmem_shared>> -> memref<16x1024xf32, #tpu.memory_space<vmem_shared>>
      %dma_start3A_935 = arith.constant 0 : i32
      %dma_start3A_936 = tpu.memref_slice %arg3[%mul3A_926, %dma_start3A_935] : memref<65536x1024xf32, #tpu.memory_space<hbm>> -> memref<16x1024xf32, #tpu.memory_space<hbm>>
      tpu.enqueue_dma source(%dma_start3A_936 : memref<16x1024xf32, #tpu.memory_space<hbm>>) target(%dma_start3A_934 : memref<16x1024xf32, #tpu.memory_space<vmem_shared>>) target_semaphore(%dma_start3A_930 : memref<!tpu.dma_semaphore, #tpu.memory_space<semaphore_mem>>)
    }
    %scan3A_57 = arith.constant 64 : i32
    %add3A_58 = arith.constant 127 : i32
    %add3A_59 = arith.addi %select_n3A, %add3A_58 : i32
    %mul3A_60 = arith.constant 16 : i32
    %mul3A_61 = arith.muli %add3A_59, %mul3A_60 : i32
    %dma_wait3A = arith.constant 0 : i32
    %dma_wait3A_62 = arith.constant 0 : i32
    %dma_wait3A_63 = tpu.memref_slice %arg14[%dma_wait3A_62] : memref<2x!tpu.dma_semaphore, #tpu.memory_space<semaphore_mem>> -> memref<1x!tpu.dma_semaphore, #tpu.memory_space<semaphore_mem>>
    %dma_wait3A_64 = tpu.memref_squeeze %dma_wait3A_63 : memref<1x!tpu.dma_semaphore, #tpu.memory_space<semaphore_mem>> -> memref<!tpu.dma_semaphore, #tpu.memory_space<semaphore_mem>>
    %dma_wait3A_65 = arith.constant 0 : i32
    %dma_wait3A_66 = arith.constant 0 : i32
    %dma_wait3A_67 = tpu.memref_slice %arg13[%arg1, %dma_wait3A, %dma_wait3A_65, %dma_wait3A_66] : memref<16x2x16x1024xf32, #tpu.memory_space<vmem_shared>> -> memref<1x1x16x1024xf32, #tpu.memory_space<vmem_shared>>
    %dma_wait3A_68 = tpu.memref_squeeze %dma_wait3A_67 : memref<1x1x16x1024xf32, #tpu.memory_space<vmem_shared>> -> memref<16x1024xf32, #tpu.memory_space<vmem_shared>>
    %dma_wait3A_69 = arith.constant 0 : i32
    %dma_wait3A_70 = tpu.memref_slice %arg3[%mul3A_61, %dma_wait3A_69] : memref<65536x1024xf32, #tpu.memory_space<hbm>> -> memref<16x1024xf32, #tpu.memory_space<hbm>>
    tpu.wait_dma2 semaphore(%dma_wait3A_64 : memref<!tpu.dma_semaphore, #tpu.memory_space<semaphore_mem>>) src(%dma_wait3A_70 : memref<16x1024xf32, #tpu.memory_space<hbm>>) dst(%dma_wait3A_68 : memref<16x1024xf32, #tpu.memory_space<vmem_shared>>)
    %add3A_71 = arith.constant 127 : i32
    %add3A_72 = arith.addi %select_n3A, %add3A_71 : i32
    %mul3A_73 = arith.constant 16 : i32
    %mul3A_74 = arith.muli %add3A_72, %mul3A_73 : i32
    %dma_wait3A_75 = arith.constant 1 : i32
    %dma_wait3A_76 = arith.constant 1 : i32
    %dma_wait3A_77 = tpu.memref_slice %arg14[%dma_wait3A_76] : memref<2x!tpu.dma_semaphore, #tpu.memory_space<semaphore_mem>> -> memref<1x!tpu.dma_semaphore, #tpu.memory_space<semaphore_mem>>
    %dma_wait3A_78 = tpu.memref_squeeze %dma_wait3A_77 : memref<1x!tpu.dma_semaphore, #tpu.memory_space<semaphore_mem>> -> memref<!tpu.dma_semaphore, #tpu.memory_space<semaphore_mem>>
    %dma_wait3A_79 = arith.constant 0 : i32
    %dma_wait3A_80 = arith.constant 0 : i32
    %dma_wait3A_81 = tpu.memref_slice %arg13[%arg1, %dma_wait3A_75, %dma_wait3A_79, %dma_wait3A_80] : memref<16x2x16x1024xf32, #tpu.memory_space<vmem_shared>> -> memref<1x1x16x1024xf32, #tpu.memory_space<vmem_shared>>
    %dma_wait3A_82 = tpu.memref_squeeze %dma_wait3A_81 : memref<1x1x16x1024xf32, #tpu.memory_space<vmem_shared>> -> memref<16x1024xf32, #tpu.memory_space<vmem_shared>>
    %dma_wait3A_83 = arith.constant 0 : i32
    %dma_wait3A_84 = tpu.memref_slice %arg3[%mul3A_74, %dma_wait3A_83] : memref<65536x1024xf32, #tpu.memory_space<hbm>> -> memref<16x1024xf32, #tpu.memory_space<hbm>>
    tpu.wait_dma2 semaphore(%dma_wait3A_78 : memref<!tpu.dma_semaphore, #tpu.memory_space<semaphore_mem>>) src(%dma_wait3A_84 : memref<16x1024xf32, #tpu.memory_space<hbm>>) dst(%dma_wait3A_82 : memref<16x1024xf32, #tpu.memory_space<vmem_shared>>)
    %broadcast_in_dim3A_85 = arith.constant 15 : i32
    %broadcast_in_dim3A_86 = vector.broadcast %broadcast_in_dim3A_85 : i32 to vector<16xi32>
    %broadcast_in_dim3A_87 = arith.constant 0 : i32
    %broadcast_in_dim3A_88 = vector.broadcast %broadcast_in_dim3A_87 : i32 to vector<16xi32>
    %broadcast_in_dim3A_89 = arith.constant 0 : i32
    %broadcast_in_dim3A_90 = vector.broadcast %broadcast_in_dim3A_89 : i32 to vector<16xi32>
    %broadcast_in_dim3A_91 = arith.constant 0 : i32
    %broadcast_in_dim3A_92 = vector.broadcast %broadcast_in_dim3A_91 : i32 to vector<16xi32>
    %add3A_93 = vector.broadcast %mul3A_2 : i32 to vector<16xi32>
    %add3A_94 = arith.addi %add3A_93, %broadcast_in_dim3A_92 : vector<16xi32>
    %scan3A_95 = arith.constant 0 : i32
    %scan3A_96 = arith.constant 128 : i32
    %scan3A_97 = arith.addi %scan3A_95, %scan3A_96 : i32
    %scan3A_98 = arith.constant 1 : i32
    %scan3A_99:3 = scf.for %scan3A_172 = %scan3A_95 to %scan3A_97 step %scan3A_98 iter_args(%scan3A_173 = %broadcast_in_dim3A_88, %scan3A_174 = %broadcast_in_dim3A_90, %scan3A_175 = %add3A_94) -> (vector<16xi32>, vector<16xi32>, vector<16xi32>)  : i32 {
      %mul3A_176 = arith.constant 16 : i32
      %mul3A_177 = arith.muli %scan3A_172, %mul3A_176 : i32
      %get3A = arith.index_cast %mul3A_177 : i32 to index
      %get3A_178 = tpu.vector_load %arg9[%get3A] {strides = array<i32>} : memref<2048xi32, #tpu.memory_space<vmem>>, vector<16xi32>,
      %ge3A = arith.constant 0 : i32
      %ge3A_179 = vector.broadcast %ge3A : i32 to vector<16xi32>
      %ge3A_180 = arith.cmpi sge, %get3A_178, %ge3A_179 : vector<16xi32>
      %jit3A_181 = arith.constant 1 : i32
      %jit3A_182 = arith.constant 0 : i32
      %broadcast_in_dim3A_183 = vector.broadcast %jit3A_181 : i32 to vector<16xi32>
      %broadcast_in_dim3A_184 = vector.broadcast %jit3A_182 : i32 to vector<16xi32>
      %select_n3A_185 = arith.select %ge3A_180, %broadcast_in_dim3A_183, %broadcast_in_dim3A_184 : vector<16xi1>, vector<16xi32>
      %broadcast_in_dim3A_186 = arith.constant true
      %broadcast_in_dim3A_187 = vector.broadcast %broadcast_in_dim3A_186 : i1 to vector<16xi1>
      %masked_cumsum3A = tpu.scan <sum>, %select_n3A_185 masked %broadcast_in_dim3A_187 : vector<16xi32>, vector<16xi1> -> vector<16xi32>
      %add3A_188 = arith.addi %scan3A_173, %masked_cumsum3A : vector<16xi32>
      %sub3A_189 = arith.constant 1 : i32
      %sub3A_190 = vector.broadcast %sub3A_189 : i32 to vector<16xi32>
      %sub3A_191 = arith.subi %add3A_188, %sub3A_190 : vector<16xi32>
      %jit3A_192 = arith.constant 0 : i32
      %jit3A_193 = arith.constant 2047 : i32
      %max3A_194 = vector.broadcast %jit3A_192 : i32 to vector<16xi32>
      %max3A_195 = arith.maxsi %max3A_194, %sub3A_191 : vector<16xi32>
      %min3A_196 = vector.broadcast %jit3A_193 : i32 to vector<16xi32>
      %min3A_197 = arith.minsi %min3A_196, %max3A_195 : vector<16xi32>
      %mul3A_198 = arith.constant 16 : i32
      %mul3A_199 = arith.muli %scan3A_172, %mul3A_198 : i32
      %add3A_200 = arith.addi %mul3A_2, %mul3A_199 : i32
      %add3A_201 = vector.broadcast %add3A_200 : i32 to vector<16xi32>
      %add3A_202 = arith.addi %add3A_201, %iota3A : vector<16xi32>
      %shift_right_arithmetic3A_203 = arith.constant 5 : i32
      %shift_right_arithmetic3A_204 = vector.broadcast %shift_right_arithmetic3A_203 : i32 to vector<16xi32>
      %shift_right_arithmetic3A_205 = arith.shrsi %min3A_197, %shift_right_arithmetic3A_204 : vector<16xi32>
      %and3A_206 = arith.constant 31 : i32
      %and3A_207 = vector.broadcast %and3A_206 : i32 to vector<16xi32>
      %and3A_208 = arith.andi %min3A_197, %and3A_207 : vector<16xi32>
      tpu.vector_store_idx %arg10[%shift_right_arithmetic3A_205, %and3A_208], %get3A_178 masked %ge3A_180 : memref<65x32xi32, #tpu.memory_space<vmem>>[vector<16xi32>, vector<16xi32>], vector<16xi32>, vector<16xi1>
      %shift_right_arithmetic3A_209 = arith.constant 5 : i32
      %shift_right_arithmetic3A_210 = vector.broadcast %shift_right_arithmetic3A_209 : i32 to vector<16xi32>
      %shift_right_arithmetic3A_211 = arith.shrsi %min3A_197, %shift_right_arithmetic3A_210 : vector<16xi32>
      %and3A_212 = arith.constant 31 : i32
      %and3A_213 = vector.broadcast %and3A_212 : i32 to vector<16xi32>
      %and3A_214 = arith.andi %min3A_197, %and3A_213 : vector<16xi32>
      tpu.vector_store_idx %arg11[%shift_right_arithmetic3A_211, %and3A_214], %add3A_202 masked %ge3A_180 : memref<65x32xi32, #tpu.memory_space<vmem>>[vector<16xi32>, vector<16xi32>], vector<16xi32>, vector<16xi1>
      %all_reduce_population_count3A = tpu.all_reduce %ge3A_180 {dim = 0 : i64, kind = #tpu.reduction_kind<sum>} : vector<16xi1> -> vector<16xi32>
      %jit3A_215 = arith.constant -1 : i32
      %broadcast_in_dim3A_216 = vector.broadcast %jit3A_215 : i32 to vector<16xi32>
      %select_n3A_217 = arith.select %ge3A_180, %iota3A, %broadcast_in_dim3A_216 : vector<16xi1>, vector<16xi32>
      %broadcast_in_dim3A_218 = arith.constant true
      %broadcast_in_dim3A_219 = vector.broadcast %broadcast_in_dim3A_218 : i1 to vector<16xi1>
      %masked_cummax3A = arith.constant -2147483648 : i32
      %masked_cummax3A_220 = vector.broadcast %masked_cummax3A : i32 to vector<16xi32>
      %masked_cummax3A_221 = arith.xori %select_n3A_217, %masked_cummax3A_220 : vector<16xi32>
      %masked_cummax3A_222 = tpu.scan <max>, %masked_cummax3A_221 masked %broadcast_in_dim3A_219 : vector<16xi32>, vector<16xi1> -> vector<16xi32>
      %masked_cummax3A_223 = arith.xori %masked_cummax3A_222, %masked_cummax3A_220 : vector<16xi32>
      %broadcast_in_dim3A_224 = vector.shape_cast %broadcast_in_dim3A_86 : vector<16xi32> to vector<16x1xi32>
      %gather3A = vector.shape_cast %broadcast_in_dim3A_224 : vector<16x1xi32> to vector<16xi32>
      %gather3A_225 = tpu.dynamic_gather %masked_cummax3A_223[%gather3A] in [0] : vector<16xi32>, vector<16xi32> -> vector<16xi32>
      %gt3A = arith.constant 0 : i32
      %gt3A_226 = vector.broadcast %gt3A : i32 to vector<16xi32>
      %gt3A_227 = arith.cmpi sgt, %all_reduce_population_count3A, %gt3A_226 : vector<16xi32>
      %jit3A_228 = arith.constant 0 : i32
      %jit3A_229 = arith.constant 15 : i32
      %max3A_230 = vector.broadcast %jit3A_228 : i32 to vector<16xi32>
      %max3A_231 = arith.maxsi %max3A_230, %gather3A_225 : vector<16xi32>
      %min3A_232 = vector.broadcast %jit3A_229 : i32 to vector<16xi32>
      %min3A_233 = arith.minsi %min3A_232, %max3A_231 : vector<16xi32>
      %broadcast_in_dim3A_234 = vector.shape_cast %min3A_233 : vector<16xi32> to vector<16x1xi32>
      %gather3A_235 = vector.shape_cast %broadcast_in_dim3A_234 : vector<16x1xi32> to vector<16xi32>
      %gather3A_236 = tpu.dynamic_gather %get3A_178[%gather3A_235] in [0] : vector<16xi32>, vector<16xi32> -> vector<16xi32>
      %select_n3A_237 = arith.select %gt3A_227, %gather3A_236, %scan3A_174 : vector<16xi1>, vector<16xi32>
      %broadcast_in_dim3A_238 = vector.shape_cast %min3A_233 : vector<16xi32> to vector<16x1xi32>
      %gather3A_239 = vector.shape_cast %broadcast_in_dim3A_238 : vector<16x1xi32> to vector<16xi32>
      %gather3A_240 = tpu.dynamic_gather %add3A_202[%gather3A_239] in [0] : vector<16xi32>, vector<16xi32> -> vector<16xi32>
      %select_n3A_241 = arith.select %gt3A_227, %gather3A_240, %scan3A_175 : vector<16xi1>, vector<16xi32>
      %add3A_242 = arith.addi %scan3A_173, %all_reduce_population_count3A : vector<16xi32>
      scf.yield %add3A_242, %select_n3A_237, %select_n3A_241 : vector<16xi32>, vector<16xi32>, vector<16xi32>
    }
    %scan3A_100 = arith.constant 128 : i32
    %reduce_max3A = arith.constant true
    %reduce_max3A_101 = vector.broadcast %reduce_max3A : i1 to vector<16xi1>
    %reduce_max3A_102 = arith.constant -2147483648 : i32
    %reduce_max3A_103 = vector.broadcast %reduce_max3A_102 : i32 to vector<16xi32>
    %reduce_max3A_104 = arith.xori %scan3A_99#0, %reduce_max3A_103 : vector<16xi32>
    %reduce_max3A_105 = tpu.scan <max>, %reduce_max3A_104 masked %reduce_max3A_101 : vector<16xi32>, vector<16xi1> -> vector<16xi32>
    %reduce_max3A_106 = arith.xori %reduce_max3A_105, %reduce_max3A_103 : vector<16xi32>
    %reduce_max3A_107 = vector.extract %reduce_max3A_106[15] : i32 from vector<16xi32>
    %jit3A_108 = arith.constant 0 : i32
    %jit3A_109 = arith.constant 2048 : i32
    %max3A = arith.maxsi %jit3A_108, %reduce_max3A_107 : i32
    %min3A = arith.minsi %jit3A_109, %max3A : i32
    %add3A_110 = arith.constant 0 : i32
    %add3A_111 = arith.addi %min3A, %add3A_110 : i32
    %add3A_112 = vector.broadcast %add3A_111 : i32 to vector<16xi32>
    %add3A_113 = arith.addi %add3A_112, %iota3A : vector<16xi32>
    %jit3A_114 = arith.constant 0 : i32
    %jit3A_115 = arith.constant 2079 : i32
    %max3A_116 = vector.broadcast %jit3A_114 : i32 to vector<16xi32>
    %max3A_117 = arith.maxsi %max3A_116, %add3A_113 : vector<16xi32>
    %min3A_118 = vector.broadcast %jit3A_115 : i32 to vector<16xi32>
    %min3A_119 = arith.minsi %min3A_118, %max3A_117 : vector<16xi32>
    %shift_right_arithmetic3A = arith.constant 5 : i32
    %shift_right_arithmetic3A_120 = vector.broadcast %shift_right_arithmetic3A : i32 to vector<16xi32>
    %shift_right_arithmetic3A_121 = arith.shrsi %min3A_119, %shift_right_arithmetic3A_120 : vector<16xi32>
    %and3A_122 = arith.constant 31 : i32
    %and3A_123 = vector.broadcast %and3A_122 : i32 to vector<16xi32>
    %and3A_124 = arith.andi %min3A_119, %and3A_123 : vector<16xi32>
    tpu.vector_store_idx %arg10[%shift_right_arithmetic3A_121, %and3A_124], %scan3A_99#1 : memref<65x32xi32, #tpu.memory_space<vmem>>[vector<16xi32>, vector<16xi32>], vector<16xi32>,
    %shift_right_arithmetic3A_125 = arith.constant 5 : i32
    %shift_right_arithmetic3A_126 = vector.broadcast %shift_right_arithmetic3A_125 : i32 to vector<16xi32>
    %shift_right_arithmetic3A_127 = arith.shrsi %min3A_119, %shift_right_arithmetic3A_126 : vector<16xi32>
    %and3A_128 = arith.constant 31 : i32
    %and3A_129 = vector.broadcast %and3A_128 : i32 to vector<16xi32>
    %and3A_130 = arith.andi %min3A_119, %and3A_129 : vector<16xi32>
    tpu.vector_store_idx %arg11[%shift_right_arithmetic3A_127, %and3A_130], %scan3A_99#2 : memref<65x32xi32, #tpu.memory_space<vmem>>[vector<16xi32>, vector<16xi32>], vector<16xi32>,
    %add3A_131 = arith.constant 16 : i32
    %add3A_132 = arith.addi %min3A, %add3A_131 : i32
    %add3A_133 = vector.broadcast %add3A_132 : i32 to vector<16xi32>
    %add3A_134 = arith.addi %add3A_133, %iota3A : vector<16xi32>
    %jit3A_135 = arith.constant 0 : i32
    %jit3A_136 = arith.constant 2079 : i32
    %max3A_137 = vector.broadcast %jit3A_135 : i32 to vector<16xi32>
    %max3A_138 = arith.maxsi %max3A_137, %add3A_134 : vector<16xi32>
    %min3A_139 = vector.broadcast %jit3A_136 : i32 to vector<16xi32>
    %min3A_140 = arith.minsi %min3A_139, %max3A_138 : vector<16xi32>
    %shift_right_arithmetic3A_141 = arith.constant 5 : i32
    %shift_right_arithmetic3A_142 = vector.broadcast %shift_right_arithmetic3A_141 : i32 to vector<16xi32>
    %shift_right_arithmetic3A_143 = arith.shrsi %min3A_140, %shift_right_arithmetic3A_142 : vector<16xi32>
    %and3A_144 = arith.constant 31 : i32
    %and3A_145 = vector.broadcast %and3A_144 : i32 to vector<16xi32>
    %and3A_146 = arith.andi %min3A_140, %and3A_145 : vector<16xi32>
    tpu.vector_store_idx %arg10[%shift_right_arithmetic3A_143, %and3A_146], %scan3A_99#1 : memref<65x32xi32, #tpu.memory_space<vmem>>[vector<16xi32>, vector<16xi32>], vector<16xi32>,
    %shift_right_arithmetic3A_147 = arith.constant 5 : i32
    %shift_right_arithmetic3A_148 = vector.broadcast %shift_right_arithmetic3A_147 : i32 to vector<16xi32>
    %shift_right_arithmetic3A_149 = arith.shrsi %min3A_140, %shift_right_arithmetic3A_148 : vector<16xi32>
    %and3A_150 = arith.constant 31 : i32
    %and3A_151 = vector.broadcast %and3A_150 : i32 to vector<16xi32>
    %and3A_152 = arith.andi %min3A_140, %and3A_151 : vector<16xi32>
    tpu.vector_store_idx %arg11[%shift_right_arithmetic3A_149, %and3A_152], %scan3A_99#2 : memref<65x32xi32, #tpu.memory_space<vmem>>[vector<16xi32>, vector<16xi32>], vector<16xi32>,
    %add3A_153 = arith.constant 32 : i32
    %add3A_154 = arith.addi %min3A, %add3A_153 : i32
    %sub3A_155 = arith.constant 1 : i32
    %sub3A_156 = arith.subi %add3A_154, %sub3A_155 : i32
    %div3A_157 = arith.constant 32 : i32
    %div3A_158 = arith.divsi %sub3A_156, %div3A_157 : i32
    %jit3A_159 = arith.constant 0 : i32
    %jit3A_160 = arith.constant 64 : i32
    %max3A_161 = arith.maxsi %jit3A_159, %div3A_158 : i32
    %min3A_162 = arith.minsi %jit3A_160, %max3A_161 : i32
    %while3A = arith.constant 0 : i32
    %while3A_163 = arith.constant 0 : i32
    %while3A_164 = arith.subi %min3A_162, %while3A_163 : i32
    %while3A_165 = arith.addi %while3A_163, %while3A_164 : i32
    %while3A_166 = arith.constant 1 : i32
    %while3A_167 = arith.divsi %while3A_164, %while3A_166 : i32
    %while3A_168 = arith.muli %while3A_167, %while3A_166 : i32
    %while3A_169 = arith.addi %while3A_163, %while3A_168 : i32
    %while3A_170 = arith.constant 1 : i32
    scf.for %while3A_172 = %while3A_163 to %while3A_169 step %while3A_170  : i32 {
      %dma_start3A_173 = arith.constant 0 : i32
      %dma_start3A_174 = tpu.memref_slice %arg10[%while3A_172, %dma_start3A_173] : memref<65x32xi32, #tpu.memory_space<vmem>> -> memref<1x32xi32, #tpu.memory_space<vmem>>
      %dma_start3A_175 = tpu.memref_squeeze %dma_start3A_174 : memref<1x32xi32, #tpu.memory_space<vmem>> -> memref<32xi32, #tpu.memory_space<vmem>>
      %dma_start3A_176 = arith.constant 0 : i32
      %dma_start3A_177 = arith.constant 0 : i32
      %dma_start3A_178 = tpu.memref_slice %arg2[%dma_start3A_176, %dma_start3A_177] : memref<16384x1024xf32, #tpu.memory_space<hbm>> -> memref<16384x1024xf32, #tpu.memory_space<hbm>>
      tpu.enqueue_indirect_dma source(%dma_start3A_178 : memref<16384x1024xf32, #tpu.memory_space<hbm>>) target(%arg12 : memref<32x1024xf32, #tpu.memory_space<vmem>>) offsets(%dma_start3A_175 : memref<32xi32, #tpu.memory_space<vmem>>) semaphore(%arg16 : memref<!tpu.dma_semaphore, #tpu.memory_space<semaphore_mem>>)
      %dma_wait3A_179 = arith.constant 0 : i32
      %dma_wait3A_180 = tpu.memref_slice %arg10[%while3A_172, %dma_wait3A_179] : memref<65x32xi32, #tpu.memory_space<vmem>> -> memref<1x32xi32, #tpu.memory_space<vmem>>
      %dma_wait3A_181 = tpu.memref_squeeze %dma_wait3A_180 : memref<1x32xi32, #tpu.memory_space<vmem>> -> memref<32xi32, #tpu.memory_space<vmem>>
      %dma_wait3A_182 = arith.constant 0 : i32
      %dma_wait3A_183 = arith.constant 0 : i32
      %dma_wait3A_184 = tpu.memref_slice %arg2[%dma_wait3A_182, %dma_wait3A_183] : memref<16384x1024xf32, #tpu.memory_space<hbm>> -> memref<16384x1024xf32, #tpu.memory_space<hbm>>
      tpu.wait_indirect_dma semaphore(%arg16 : memref<!tpu.dma_semaphore, #tpu.memory_space<semaphore_mem>>) src(%dma_wait3A_184 : memref<16384x1024xf32, #tpu.memory_space<hbm>>) dst(%arg12 : memref<32x1024xf32, #tpu.memory_space<vmem>>)
      %dma_start3A_185 = arith.constant 0 : i32
      %dma_start3A_186 = tpu.memref_slice %arg11[%while3A_172, %dma_start3A_185] : memref<65x32xi32, #tpu.memory_space<vmem>> -> memref<1x32xi32, #tpu.memory_space<vmem>>
      %dma_start3A_187 = tpu.memref_squeeze %dma_start3A_186 : memref<1x32xi32, #tpu.memory_space<vmem>> -> memref<32xi32, #tpu.memory_space<vmem>>
      %dma_start3A_188 = arith.constant 0 : i32
      %dma_start3A_189 = arith.constant 0 : i32
      %dma_start3A_190 = tpu.memref_slice %arg6[%dma_start3A_188, %dma_start3A_189] : memref<65536x1024xf32, #tpu.memory_space<hbm>> -> memref<65536x1024xf32, #tpu.memory_space<hbm>>
      tpu.enqueue_indirect_dma source(%arg12 : memref<32x1024xf32, #tpu.memory_space<vmem>>) target(%dma_start3A_190 : memref<65536x1024xf32, #tpu.memory_space<hbm>>) offsets(%dma_start3A_187 : memref<32xi32, #tpu.memory_space<vmem>>) semaphore(%arg17 : memref<!tpu.dma_semaphore, #tpu.memory_space<semaphore_mem>>)
      %dma_wait3A_191 = arith.constant 0 : i32
      %dma_wait3A_192 = tpu.memref_slice %arg11[%while3A_172, %dma_wait3A_191] : memref<65x32xi32, #tpu.memory_space<vmem>> -> memref<1x32xi32, #tpu.memory_space<vmem>>
      %dma_wait3A_193 = tpu.memref_squeeze %dma_wait3A_192 : memref<1x32xi32, #tpu.memory_space<vmem>> -> memref<32xi32, #tpu.memory_space<vmem>>
      %dma_wait3A_194 = arith.constant 0 : i32
      %dma_wait3A_195 = arith.constant 0 : i32
      %dma_wait3A_196 = tpu.memref_slice %arg6[%dma_wait3A_194, %dma_wait3A_195] : memref<65536x1024xf32, #tpu.memory_space<hbm>> -> memref<65536x1024xf32, #tpu.memory_space<hbm>>
      tpu.wait_indirect_dma semaphore(%arg17 : memref<!tpu.dma_semaphore, #tpu.memory_space<semaphore_mem>>) src(%arg12 : memref<32x1024xf32, #tpu.memory_space<vmem>>) dst(%dma_wait3A_196 : memref<65536x1024xf32, #tpu.memory_space<hbm>>)
    }
    %while3A_171 = arith.constant 1 : i32
    scf.for %while3A_172 = %while3A_169 to %while3A_165 step %while3A_171  : i32 {
      %dma_start3A_173 = arith.constant 0 : i32
      %dma_start3A_174 = tpu.memref_slice %arg10[%while3A_172, %dma_start3A_173] : memref<65x32xi32, #tpu.memory_space<vmem>> -> memref<1x32xi32, #tpu.memory_space<vmem>>
      %dma_start3A_175 = tpu.memref_squeeze %dma_start3A_174 : memref<1x32xi32, #tpu.memory_space<vmem>> -> memref<32xi32, #tpu.memory_space<vmem>>
      %dma_start3A_176 = arith.constant 0 : i32
      %dma_start3A_177 = arith.constant 0 : i32
      %dma_start3A_178 = tpu.memref_slice %arg2[%dma_start3A_176, %dma_start3A_177] : memref<16384x1024xf32, #tpu.memory_space<hbm>> -> memref<16384x1024xf32, #tpu.memory_space<hbm>>
      tpu.enqueue_indirect_dma source(%dma_start3A_178 : memref<16384x1024xf32, #tpu.memory_space<hbm>>) target(%arg12 : memref<32x1024xf32, #tpu.memory_space<vmem>>) offsets(%dma_start3A_175 : memref<32xi32, #tpu.memory_space<vmem>>) semaphore(%arg16 : memref<!tpu.dma_semaphore, #tpu.memory_space<semaphore_mem>>)
      %dma_wait3A_179 = arith.constant 0 : i32
      %dma_wait3A_180 = tpu.memref_slice %arg10[%while3A_172, %dma_wait3A_179] : memref<65x32xi32, #tpu.memory_space<vmem>> -> memref<1x32xi32, #tpu.memory_space<vmem>>
      %dma_wait3A_181 = tpu.memref_squeeze %dma_wait3A_180 : memref<1x32xi32, #tpu.memory_space<vmem>> -> memref<32xi32, #tpu.memory_space<vmem>>
      %dma_wait3A_182 = arith.constant 0 : i32
      %dma_wait3A_183 = arith.constant 0 : i32
      %dma_wait3A_184 = tpu.memref_slice %arg2[%dma_wait3A_182, %dma_wait3A_183] : memref<16384x1024xf32, #tpu.memory_space<hbm>> -> memref<16384x1024xf32, #tpu.memory_space<hbm>>
      tpu.wait_indirect_dma semaphore(%arg16 : memref<!tpu.dma_semaphore, #tpu.memory_space<semaphore_mem>>) src(%dma_wait3A_184 : memref<16384x1024xf32, #tpu.memory_space<hbm>>) dst(%arg12 : memref<32x1024xf32, #tpu.memory_space<vmem>>)
      %dma_start3A_185 = arith.constant 0 : i32
      %dma_start3A_186 = tpu.memref_slice %arg11[%while3A_172, %dma_start3A_185] : memref<65x32xi32, #tpu.memory_space<vmem>> -> memref<1x32xi32, #tpu.memory_space<vmem>>
      %dma_start3A_187 = tpu.memref_squeeze %dma_start3A_186 : memref<1x32xi32, #tpu.memory_space<vmem>> -> memref<32xi32, #tpu.memory_space<vmem>>
      %dma_start3A_188 = arith.constant 0 : i32
      %dma_start3A_189 = arith.constant 0 : i32
      %dma_start3A_190 = tpu.memref_slice %arg6[%dma_start3A_188, %dma_start3A_189] : memref<65536x1024xf32, #tpu.memory_space<hbm>> -> memref<65536x1024xf32, #tpu.memory_space<hbm>>
      tpu.enqueue_indirect_dma source(%arg12 : memref<32x1024xf32, #tpu.memory_space<vmem>>) target(%dma_start3A_190 : memref<65536x1024xf32, #tpu.memory_space<hbm>>) offsets(%dma_start3A_187 : memref<32xi32, #tpu.memory_space<vmem>>) semaphore(%arg17 : memref<!tpu.dma_semaphore, #tpu.memory_space<semaphore_mem>>)
      %dma_wait3A_191 = arith.constant 0 : i32
      %dma_wait3A_192 = tpu.memref_slice %arg11[%while3A_172, %dma_wait3A_191] : memref<65x32xi32, #tpu.memory_space<vmem>> -> memref<1x32xi32, #tpu.memory_space<vmem>>
      %dma_wait3A_193 = tpu.memref_squeeze %dma_wait3A_192 : memref<1x32xi32, #tpu.memory_space<vmem>> -> memref<32xi32, #tpu.memory_space<vmem>>
      %dma_wait3A_194 = arith.constant 0 : i32
      %dma_wait3A_195 = arith.constant 0 : i32
      %dma_wait3A_196 = tpu.memref_slice %arg6[%dma_wait3A_194, %dma_wait3A_195] : memref<65536x1024xf32, #tpu.memory_space<hbm>> -> memref<65536x1024xf32, #tpu.memory_space<hbm>>
      tpu.wait_indirect_dma semaphore(%arg17 : memref<!tpu.dma_semaphore, #tpu.memory_space<semaphore_mem>>) src(%arg12 : memref<32x1024xf32, #tpu.memory_space<vmem>>) dst(%dma_wait3A_196 : memref<65536x1024xf32, #tpu.memory_space<hbm>>)
    }
    return
  }
}

</mosaic_0001>

<sc_bundles>
// kernel: kernel.3.cloned.1.call-start
scs
__scs_entry_jumppad:
0x0: {  	(pc) =	sbr.rel $0x88, $3  }
0x1: {  	(tag) =	ssettag $0x0;
	lr =	simm.s32 $0x1  }
0x2: {  	[smem:$0x3F9D] =	sst lr;
	_ =	strace $0xD0000000  }
0x3: {  	_ = 	snop  }
0x4: {  	_ = 	snop  }
0x5: {  	_ = 	snop  }
0x6: {  	_ = 	snop  }
0x7: {  	_ = 	snop  }
__scs_overlays_trampoline_lowered:
0x8: {  	[smem:$0x3FAC] =	sst s0  }
0x9: {  	[smem:$0x3FAD] =	sst s1  }
0xa: {  	[smem:$0x3FAE] =	sst s2  }
0xb: {  	[smem:$0x3FAF] =	sst s3  }
0xc: {  	[smem:$0x3FB0] =	sst s4  }
0xd: {  	[smem:$0x3FB1] =	sst s5  }
0xe: {  	[smem:$0x3FB2] =	sst s6  }
0xf: {  	[smem:$0x3FB3] =	sst s7  }
0x10: {  	[smem:$0x3FB4] =	sst s8  }
0x11: {  	[smem:$0x3FB5] =	sst s9;
	s0 =	simm.s32 @!p0 $0x0  }
0x12: {  	s1 =	sld [smem:$0x3F9B];
	s0 =	simm.s32 @p0 $0x1  }
0x13: {  	[smem:$0x3FB6] =	sst s0;
	s0 =	simm.s32 @!p1 $0x0  }
0x14: {  	s2 =	sld [smem:$0x3F9A];
	s0 =	simm.s32 @p1 $0x1  }
0x15: {  	[smem:$0x3FB7] =	sst s0;
	s0 =	simm.s32 @!p2 $0x0  }
0x16: {  	s3 =	sld [smem:$0x3FDB];
	s0 =	simm.s32 @p2 $0x1  }
0x17: {  	s4 =	simm.s32 $0x1BF5;
	[smem:$0x3FB9] =	sst s0  }
0x18: {  	s0 =	sld [smem:$0x3F9C];
	_ =	swait.ge [sflag:s4], $0x0  }
0x19: {  	s7 =	sld [smem:$0x3F9D]  }
0x1a: {  	s8 =	sadd.s32 $0xFFFFE003, lr  }
0x1b: {  	s9 =	sadd.s32 $0xFFFFFEF7, lr;
	s5 =	simm.s32 $0xFFFFFFFF;
	p2 =	slt.u32 s8, $0xFFFFF086  }
0x1c: {  	p1 =	slt.u32 s9, $0xF7A;
	s5 =	simm.s32 @!p2 $0x0  }
0x1d: {  	s5 =	simm.s32 @p1 $0x1;
	p0 =	seq.s32 s7, s2  }
0x1e: {  	s7 =	smul.u32 @!p0 $0xF7A, s2;
	p2 =	seq.s32 @!p0 s5, $0x0  }
0x1f: {  	s9 =	smul.u32 $0xF7A, s1;
	s8 =	simm.s32 @!p0 $0x1BF5;
	p2 =	por !p2, p0  }
0x20: {  	[sflag:s8] =	ssyncset.s32 @!p0 $0xFFFFF086;
	s6 =	sadd.s32 @!p0 s3, s7;
	s7 =	simm.s32 @!p0 $0x108  }
0x21: {  	s3 =	sadd.s32 s3, s9;
	s6 =	sadd.s32 @!p0 $0x88, s6;
	s7 =	simm.s32 @p2 $0x1082  }
0x22: {  	[simem:s7], [sflag:s8] =	dma.local @!p0 [hbm:s6], $0xF7A  }
0x23: {  	s9 =	sor.u32 $0xD0000000, s2;
	s6 =	simm.s32 $0x108;
	_ =	swait.ge @!p0 [sflag:s8], $0x0  }
0x24: {  	s3 =	sadd.s32 $0x88, s3;
	s6 =	simm.s32 @!p1 $0x1082;
	[sflag:s4] =	ssyncset.s32 $0xFFFFF086  }
0x25: {  	[simem:s6], [sflag:s4] =	dma.local [hbm:s3], $0xF7A  }
0x26: {  	[smem:$0x3F9D] =	sst s1;
	(tag) =	ssettag s2;
	_ =	strace s9  }
0x27: {  	s1 =	sld [smem:$0x3FAD]  }
0x28: {  	s2 =	sld [smem:$0x3FAE]  }
0x29: {  	s4 =	sld [smem:$0x3FB0]  }
0x2a: {  	p0 =	seq.s32 s5, $0x0;
	s5 =	sld [smem:$0x3FB1]  }
0x2b: {  	s6 =	sld [smem:$0x3FB2]  }
0x2c: {  	s7 =	sld [smem:$0x3FB3]  }
0x2d: {  	s3 =	simm.s32 $0x108;
	s8 =	sld [smem:$0x3FB4]  }
0x2e: {  	s3 =	simm.s32 @!p0 $0x1082;
	s9 =	sld [smem:$0x3FB5]  }
0x2f: {  	lr =	sadd.s32 s0, s3;
	s0 =	sld [smem:$0x3FAC]  }
0x30: {  	s3 =	sld [smem:$0x3FAF]  }
0x31: {  	[smem:$0x3FB8] =	sst s10  }
0x32: {  	s10 =	sld [smem:$0x3FB6];
	_ =	sdelay $0x3  }
0x33: {  	p0 =	seq.s32 s10, $0x1;
	s10 =	sld [smem:$0x3FB8];
	_ =	sdelay $0x3  }
0x34: {  	[smem:$0x3FB8] =	sst s10  }
0x35: {  	s10 =	sld [smem:$0x3FB7];
	_ =	sdelay $0x3  }
0x36: {  	p1 =	seq.s32 s10, $0x1;
	s10 =	sld [smem:$0x3FB8];
	_ =	sdelay $0x3  }
0x37: {  	[smem:$0x3FB8] =	sst s10  }
0x38: {  	s10 =	sld [smem:$0x3FB9]  }
0x39: {  	_ = 	snop;
	(pc) =	sbr.ind lr, $3  }
0x3a: {  	_ = 	snop  }
0x3b: {  	_ = 	snop  }
0x3c: {  	p2 =	seq.s32 s10, $0x1;
	s10 =	sld [smem:$0x3FB8]  }
0x3d: {  	_ =	shalt  }
0x3e: {  	_ =	shalt  }
0x3f: {  	_ =	shalt  }
0x40: {  	_ =	shalt  }
0x41: {  	_ =	shalt  }
0x42: {  	_ =	shalt  }
0x43: {  	_ =	shalt  }
0x44: {  	_ =	shalt  }
0x45: {  	_ =	shalt  }
0x46: {  	_ =	shalt  }
0x47: {  	_ =	shalt  }
0x48: {  	_ =	shalt  }
0x49: {  	_ =	shalt  }
0x4a: {  	_ =	shalt  }
0x4b: {  	_ =	shalt  }
0x4c: {  	_ =	shalt  }
0x4d: {  	_ =	shalt  }
0x4e: {  	_ =	shalt  }
0x4f: {  	_ =	shalt  }
0x50: {  	_ =	shalt  }
0x51: {  	_ =	shalt  }
0x52: {  	_ =	shalt  }
0x53: {  	_ =	shalt  }
0x54: {  	_ =	shalt  }
0x55: {  	_ =	shalt  }
0x56: {  	_ =	shalt  }
0x57: {  	_ =	shalt  }
0x58: {  	_ =	shalt  }
0x59: {  	_ =	shalt  }
0x5a: {  	_ =	shalt  }
0x5b: {  	_ =	shalt  }
0x5c: {  	_ =	shalt  }
0x5d: {  	_ =	shalt  }
0x5e: {  	_ =	shalt  }
0x5f: {  	_ =	shalt  }
0x60: {  	_ =	shalt  }
0x61: {  	_ =	shalt  }
0x62: {  	_ =	shalt  }
0x63: {  	_ =	shalt  }
0x64: {  	_ =	shalt  }
0x65: {  	_ =	shalt  }
0x66: {  	_ =	shalt  }
0x67: {  	_ =	shalt  }
0x68: {  	_ =	shalt  }
0x69: {  	_ =	shalt  }
0x6a: {  	_ =	shalt  }
0x6b: {  	_ =	shalt  }
0x6c: {  	_ =	shalt  }
0x6d: {  	_ =	shalt  }
0x6e: {  	_ =	shalt  }
0x6f: {  	_ =	shalt  }
0x70: {  	_ =	shalt  }
0x71: {  	_ =	shalt  }
0x72: {  	_ =	shalt  }
0x73: {  	_ =	shalt  }
0x74: {  	_ =	shalt  }
0x75: {  	_ =	shalt  }
0x76: {  	_ =	shalt  }
0x77: {  	_ =	shalt  }
0x78: {  	_ =	shalt  }
0x79: {  	_ =	shalt  }
0x7a: {  	_ =	shalt  }
0x7b: {  	_ =	shalt  }
0x7c: {  	_ =	shalt  }
0x7d: {  	_ =	shalt  }
0x7e: {  	_ =	shalt  }
0x7f: {  	_ =	shalt  }
0x80: {  	_ =	shalt  }
0x81: {  	_ =	shalt  }
0x82: {  	_ =	shalt  }
0x83: {  	_ =	shalt  }
0x84: {  	_ =	shalt  }
0x85: {  	_ =	shalt  }
0x86: {  	_ =	shalt  }
0x87: {  	_ =	shalt  }
.Lfunc_end0:
.L_simem_size_0:
called_computation.3_lowered:
.L_overlay_start_0:
0x88: {  	s2 =	sld [smem:$0x3FD9]  }
0x89: {  	s3 =	sld [smem:$0x3FFE];
	_ =	sdelay $0x1  }
0x8a: {  	s1 =	srdreg.scid  }
0x8b: {  	s0 =	sand.u32 $0x1, s1  }
0x8c: {  	s17 =	sshll.u32 s0, $0xA;
	s2 =	sadd.s32 s3, s2  }
0x8d: {  	s2 =	sadd.s32 s2, s17  }
0x8e: {  	[smem:$0x3FC4] =	sst s2  }
0x8f: {  	_ = 	snop  }
0x90: {  	s2 =	sld [smem:$0x3FC7]  }
0x91: {  	s18 =	sld [smem:$0x3FC6]  }
0x92: {  	s4 =	sld [smem:$0x3FD0];
	(tm) =	ssettm $0x1  }
0x93: {  	s5 =	sld [smem:$0x3FFB];
	_ =	sdelay $0x3  }
0x94: {  	_ =	strace s5  }
0x95: {  	s5 =	sld [smem:$0x3FFC];
	_ =	sdelay $0x3  }
0x96: {  	_ =	strace s5  }
0x97: {  	s5 =	sld [smem:$0x3FFD];
	_ =	sdelay $0x3  }
0x98: {  	_ =	strace s5  }
0x99: {  	_ =	strace $0x8FFFFFFF  }
0x9a: {  	s19 =	sld [smem:$0x3FDB];
	_ =	sdelay $0x1  }
0x9b: {  	s6 =	simm.s32 $_scs_section_size  }
0x9c: {  	s7 =	simm.s32 $_size__tile_overlayer_lowered;
	s8 =	simm.s32 $_tile_overlayer_lowered  }
0x9d: {  	s22 =	simm.s32 $0x1BFF;
	s21 =	sshll.u32 s8, $0x1;
	s5 =	sadd.s32 s6, s19  }
0x9e: {  	s9 =	simm.s32 $0x0;
	s20 =	sshll.u32 s7, $0x1;
	s7 =	sadd.s32 s21, s5  }
0x9f: {  	[timem:s9], [sflag:s22] =	dma.local [hbm:s7], s20  }
0xa0: {  	_ =	swait.ge [sflag:s22], s20  }
0xa1: {  	s6 =	ssub.s32 $0x0, s20;
	[sflag:s22] =	ssyncset.done $0x0  }
0xa2: {  	[sflag:s22] =	ssyncadd.s32 s6;
	_ =	sdelay $0x1  }
0xa3: {  	s23 =	simm.s32 $0x1B8B  }
0xa4: {  	_ =	swait.ge [sflag:s23], $0x1  }
0xa5: {  	[sflag:s23] =	ssyncset.done $0x0  }
0xa6: {  	s25 =	simm.s32 $0x1B8E;
	s24 =	sld [smem:$0x3FFE];
	[sflag:s23] =	ssyncadd.s32 $0xFFFFFFFF  }
0xa7: {  	s26 =	simm.s32 $execute0_lowered;
	[smem:$0x3FD2] =	sst s25  }
0xa8: {  	s7 =	sshll.u32 s26, $0x1;
	_ =	strace $0x8000004C;
	[dreg:$0x1] =	wrdreg $0xFFFFFFFF  }
0xa9: {  	s28 =	simm.s32 $_size_execute0_lowered;
	s5 =	sadd.s32 s5, s7;
	[dreg:$0x0] =	wrdreg $0x0  }
0xaa: {  	s7 =	sshll.u32 s28, $0x1;
	[dreg:$0x2] =	wrdreg s5  }
0xab: {  	[dreg:$0x3] =	wrdreg s7  }
0xac: {  	[dreg:$0x4] =	wrdreg $0xC0  }
0xad: {  	_ =	task [dreg:s9], $0x5FFFF  }
0xae: {  	[dreg:$0x1] =	wrdreg $0xFFFFFFFF  }
0xaf: {  	[dreg:$0x0] =	wrdreg $0x60  }
0xb0: {  	[dreg:$0x2] =	wrdreg s24  }
0xb1: {  	[dreg:$0x3] =	wrdreg s4  }
0xb2: {  	[dreg:$0x4] =	wrdreg s2  }
0xb3: {  	[dreg:$0x5] =	wrdreg s18  }
0xb4: {  	[dreg:$0x6] =	wrdreg $0x150000  }
0xb5: {  	[dreg:$0x7] =	wrdreg $0x9  }
0xb6: {  	_ =	task.clear_ibuf [dreg:s9], $0x8FFFF;
	_ =	strace $0x9000004C  }
0xb7: {  	s29 =	simm.s32 $0x9;
	_ =	strace $0x8000004E  }
0xb8: {  	_ =	swait.ge [sflag:s29], $0x1  }
0xb9: {  	[sflag:s29] =	ssyncadd.s32 $0xFFFFFFFF  }
0xba: {  	_ =	strace $0x9000004E  }
0xbb: {  	_ =	sfence  }
0xbc: {  	s30 =	sld [smem:$0x0];
	_ =	sdelay $0x2  }
0xbd: {  	s31 =	sshll.u32 s1, $0xD;
	s1 =	sshrl.u32 s1, $0x2  }
0xbe: {  	s3 =	sand.u32 $0x4000, s31;
	s1 =	sadd.s32 s1, s30  }
0xbf: {  	s0 =	sor.u32 s3, s0;
	s1 =	sshll.u32 s1, $0x11  }
0xc0: {  	s0 =	sor.u32 s1, s0  }
0xc1: {  	s0 =	sadd.s32 $0x8F2B, s0  }
0xc2: {  	[sflag:s0] =	ssyncadd.remote.s32 $0x1  }
0xc3: {  	_ =	sfence.sel $0xFFFF  }
0xc4: {  	[dreg:$0x0] =	wrdreg $0xFFFFFFFF;
	(pc) =	sbr.abs _section_cstart, $3  }
0xc5: {  	[dreg:$0x1] =	wrdreg $0xFFFFFFFF  }
0xc6: {  	_ =	task.clear_ibuf [dreg:s9], $0x2FFFF;
	_ =	strace $0x9FFFFFFF  }
0xc7: {  	(tm) =	ssettm $0x7FFFFFFF  }
tec
execute0_lowered:
.L_overlay_start_1:
0x0: {  	(tag) =	ssettag $0x1  }
0x1: {  	s0 =	rddreg [dreg:$0x0]  }
0x2: {  	s1 =	rddreg [dreg:$0x1]  }
0x3: {  	s2 =	rddreg [dreg:$0x4];
	s4 =	simm.s32 $0x0;
	s3 =	srdreg.scid  }
0x4: {  	s18 =	stileid.u32;
	s28 =	simm.s32 $0x1;
	s29 =	simm.s32 $0x2  }
0x5: {  	s22 =	simm.s32 $0x3;
	s30 =	simm.s32 $0x11800;
	s31 =	simm.s32 $0x12000  }
0x6: {  	[smem:$0x7FF] =	sst s4;
	s6 =	sadd.s32 $0x1000, s0;
	s3 =	sand.u32 $0x1, s3  }
0x7: {  	s7 =	sadd.s32 $0x201000, s0;
	_ =	strace $0x8000004D;
	[dreg:$0x12] =	wrdreg s6  }
0x8: {  	s8 =	sshll.u32 s18, $0xC;
	s20 =	sadd.s32 $0x1100, s0;
	[dreg:$0x13] =	wrdreg s7  }
0x9: {  	s23 =	sshll.u32 s18, $0xF;
	s14 =	sadd.s32 $0x1200, s0;
	[dreg:$0x14] =	wrdreg s20  }
0xa: {  	s15 =	sadd.s32 $0x201100, s0;
	s16 =	sadd.s32 $0x1300, s0;
	[dreg:$0x15] =	wrdreg s14  }
0xb: {  	s17 =	sadd.s32 $0x201200, s0;
	s5 =	ssub.s32 $0x2, s3;
	[dreg:$0x16] =	wrdreg s15  }
0xc: {  	s9 =	sshll.u32 s3, $0xB;
	s2 =	sadd.s32 s23, s2;
	[dreg:$0x17] =	wrdreg s16  }
0xd: {  	s3 =	sshll.u32 s3, $0x12;
	[dreg:$0x18] =	wrdreg s17;
	s19 =	sor.u32 s9, s8  }
0xe: {  	s10 =	sshrl.u32 s5, $0x1;
	s9 =	sshll.u32 s18, $0x6;
	[dreg:$0x8] =	wrdreg s19  }
0xf: {  	s12 =	sadd.s32 $0x4000, s2;
	s21 =	sshrl.u32 s2, $0x3;
	[dreg:$0xf] =	wrdreg s9  }
0x10: {  	s5 =	ssub.s32 s5, s10;
	s11 =	sor.u32 $0x1C01, s9;
	[dreg:$0x10] =	wrdreg s21  }
0x11: {  	s8 =	sshrl.u32 s19, $0x4;
	s23 =	sshrl.u32 s12, $0x3;
	[dreg:$0xd] =	wrdreg s11  }
0x12: {  	s24 =	sshll.u32 s19, $0x7;
	s25 =	sor.u32 $0x2, s8;
	[dreg:$0x11] =	wrdreg s23  }
0x13: {  	s13 =	sadd.s32 s1, s24;
	s8 =	sor.u32 $0x3, s8;
	[dreg:$0x6] =	wrdreg s25  }
0x14: {  	s24 =	sshll.u32 s18, $0x13;
	s5 =	smax.u32 s5, $0x1;
	[dreg:$0x9] =	wrdreg s13  }
0x15: {  	s26 =	sadd.s32 $0x800, s13;
	s13 =	sadd.s32 $0x800, s19;
	[dreg:$0x7] =	wrdreg s8  }
.Ltmp0:
0x16: {  	s25 =	sadd.s32 $0x201300, s0;
	[dreg:$0xb] =	wrdreg s5;
	(pc) =	sbr.rel .LBB2_1-.Ltmp0, $4  }
0x17: {  	s8 =	sor.u32 $0x1C02, s9;
	s5 =	simm.s32 $0xAC00;
	[dreg:$0xa] =	wrdreg s26  }
0x18: {  	v2 =	vimm.s32 $0xFFFFFFFF;
	s26 =	sadd.s32 s24, s7;
	s24 =	simm.s32 $0x4;
	[dreg:$0xe] =	wrdreg s8  }
0x19: {  	v3 =	vlaneseq.u32;
	v4 =	vimm.s32 $0x0;
	v5 =	vimm.s32 $0xF;
	[dreg:$0x19] =	wrdreg s25;
	s0 =	sadd.s32 s3, s26;
	s26 =	simm.s32 $0x8000  }
0x1a: {  	vm0 =	vmmov $0xffff;
	v1 =	vmov s19;
	v0 =	vmov s13;
	s3 =	simm.s32 $0x0;
	[dreg:$0xc] =	wrdreg s0;
	s0 =	simm.s32 $0x8800  }
.LBB2_10:
0x1b: {  	s3 =	rddreg [dreg:$0x1a]  }
0x1c: {  	s2 =	rddreg [dreg:$0xb];
	s3 =	sadd.s32 $0x1, s3  }
0x1d: {  	s1 =	rddreg [dreg:$0x1];
	p0 =	sne.s32 s3, s2  }
.Ltmp1:
0x1e: {  	s11 =	rddreg [dreg:$0xd];
	(pc) =	sbr.rel @!p0 .LBB2_11-.Ltmp1, $4  }
0x1f: {  	s8 =	rddreg [dreg:$0xe]  }
0x20: {  	s9 =	rddreg [dreg:$0xf]  }
0x21: {  	s22 =	simm.s32 $0x3;
	s24 =	simm.s32 $0x4;
	s21 =	rddreg [dreg:$0x10]  }
0x22: {  	s28 =	simm.s32 $0x1;
	s29 =	simm.s32 $0x2;
	s23 =	rddreg [dreg:$0x11]  }
.LBB2_1:
0x23: {  	[dreg:$0x1a] =	wrdreg s3  }
0x24: {  	s2 =	rddreg [dreg:$0x9]  }
0x25: {  	[spmem:s21], [sflag:s11] =	dma.local [hbm:s2], $0x800  }
0x26: {  	s2 =	rddreg [dreg:$0xa]  }
0x27: {  	[spmem:s23], [sflag:s8] =	dma.local [hbm:s2], $0x800  }
0x28: {  	s20 =	simm.s32 $0x7;
	s2 =	rddreg [dreg:$0x2]  }
0x29: {  	[tilespmem:s4], [sflag:$0x7] =	stream.linear.gather [hbm4b:s2+s4], $0x4000, $0x38;
	[tilespmem:$0x1D000] =	vst v63  }
0x2a: {  	_ =	swait.ge [sflag:s20], $0x4000  }
0x2b: {  	[sflag:s20] =	ssyncset.done $0x0  }
0x2c: {  	[sflag:s20] =	ssyncadd.s32 $0xFFFFC000  }
0x2d: {  	s10 =	simm.s32 $0x4000;
	s25 =	rddreg [dreg:$0x3]  }
0x2e: {  	[tilespmem:s10], [sflag:$0x7] =	stream.linear.gather [hbm4b:s25+s4], $0x4000, $0x38;
	[tilespmem:$0x1D000] =	vst v63  }
0x2f: {  	_ =	swait.ge [sflag:s20], $0x4000  }
0x30: {  	[sflag:s20] =	ssyncset.done $0x0  }
0x31: {  	s2 =	simm.s32 $0x0;
	[sflag:s20] =	ssyncadd.s32 $0xFFFFC000  }
.LBB2_2:
0x32: {  	p0 =	sne.s32 s2, $0x1FC0  }
.Ltmp2:
0x33: {  	_ = 	snop;
	(pc) =	sbr.rel @p0 .LBB2_2-.Ltmp2, $3  }
0x34: {  	_ =	sdelay $0x1  }
0x35: {  	s3 =	sshra.s32 s2, $0x2  }
0x36: {  	s2 =	sadd.s32 $0x40, s2;
	[tilespmem:s3+$0x8000] =	vst v2  }
0x37: {  	s2 =	simm.s32 $0xF0;
	s3 =	simm.s32 $0x0  }
0x38: {  	s25 =	simm.s32 $0x4080;
	s12 =	simm.s32 $0x80;
	s19 =	rddreg [dreg:$0xc]  }
.LBB2_4:
0x39: {  	v6 =	vld [tilespmem:s12+$0xFFFFFF80]  }
0x3a: {  	v7 =	vld [tilespmem:s25+$0xFFFFFF80];
	_ =	sdelay $0x3  }
0x3b: {  	v6 =	vshll.u32 v6, $0x4  }
0x3c: {  	v6 =	vadd.s32 v7, v6  }
0x3d: {  	(xrf1) =	vunique.msk.u32 $0xffff, v6;
	_ =	sdelay $0xc  }
0x3e: {  	vm1 =	vge.s32 v6, v1;
	vm2 =	vlt.s32 v6, v0;
	v6 =	vsub.s32 v6, v1  }
0x3f: {  	vm1 =	vmand vm1, vm2;
	vm3 =	vgt.s32 v6, $0x0;
	_, v7, vm2 =	vpop (xrf1)  }
0x40: {  	v6 =	vnsel vm3, $0x0, v6;
	vm1 =	vmand vm1, vm2  }
0x41: {  	v6 =	vmin.u32 v6, $0x7FF;
	_ =	sdelay $0x2  }
0x42: {  	s10 =	sadd.s32 $0xFFFFFF10, s2  }
0x43: {  	v7 =	vor.u32 s10, v3  }
0x44: {  	[tilespmem:v6+s26+$0x0] =	vst.idx.msk vm1, v7  }
0x45: {  	v6 =	vld [tilespmem:s12+$0xFFFFFF90]  }
0x46: {  	v7 =	vld [tilespmem:s25+$0xFFFFFF90];
	_ =	sdelay $0x3  }
0x47: {  	v6 =	vshll.u32 v6, $0x4  }
0x48: {  	v6 =	vadd.s32 v7, v6  }
0x49: {  	(xrf1) =	vunique.msk.u32 $0xffff, v6;
	_ =	sdelay $0xc  }
0x4a: {  	vm1 =	vge.s32 v6, v1;
	vm2 =	vlt.s32 v6, v0;
	v6 =	vsub.s32 v6, v1  }
0x4b: {  	vm1 =	vmand vm1, vm2;
	vm3 =	vgt.s32 v6, $0x0;
	_, v7, vm2 =	vpop (xrf1)  }
0x4c: {  	v6 =	vnsel vm3, $0x0, v6;
	vm1 =	vmand vm1, vm2  }
0x4d: {  	v6 =	vmin.u32 v6, $0x7FF;
	_ =	sdelay $0x2  }
0x4e: {  	s17 =	sadd.s32 $0xFFFFFF20, s2  }
0x4f: {  	v7 =	vor.u32 s17, v3  }
0x50: {  	[tilespmem:v6+s26+$0x0] =	vst.idx.msk vm1, v7  }
0x51: {  	v6 =	vld [tilespmem:s12+$0xFFFFFFA0]  }
0x52: {  	v7 =	vld [tilespmem:s25+$0xFFFFFFA0];
	_ =	sdelay $0x3  }
0x53: {  	v6 =	vshll.u32 v6, $0x4  }
0x54: {  	v6 =	vadd.s32 v7, v6  }
0x55: {  	(xrf1) =	vunique.msk.u32 $0xffff, v6;
	_ =	sdelay $0xc  }
0x56: {  	vm1 =	vge.s32 v6, v1;
	vm2 =	vlt.s32 v6, v0;
	v6 =	vsub.s32 v6, v1  }
0x57: {  	vm1 =	vmand vm1, vm2;
	vm3 =	vgt.s32 v6, $0x0;
	_, v7, vm2 =	vpop (xrf1)  }
0x58: {  	v6 =	vnsel vm3, $0x0, v6;
	vm1 =	vmand vm1, vm2  }
0x59: {  	v6 =	vmin.u32 v6, $0x7FF;
	_ =	sdelay $0x2  }
0x5a: {  	s18 =	sadd.s32 $0xFFFFFF30, s2  }
0x5b: {  	v7 =	vor.u32 s18, v3  }
0x5c: {  	[tilespmem:v6+s26+$0x0] =	vst.idx.msk vm1, v7  }
0x5d: {  	v6 =	vld [tilespmem:s12+$0xFFFFFFB0]  }
0x5e: {  	v7 =	vld [tilespmem:s25+$0xFFFFFFB0];
	_ =	sdelay $0x3  }
0x5f: {  	v6 =	vshll.u32 v6, $0x4  }
0x60: {  	v6 =	vadd.s32 v7, v6  }
0x61: {  	(xrf1) =	vunique.msk.u32 $0xffff, v6;
	_ =	sdelay $0xc  }
0x62: {  	vm1 =	vge.s32 v6, v1;
	vm2 =	vlt.s32 v6, v0;
	v6 =	vsub.s32 v6, v1  }
0x63: {  	vm1 =	vmand vm1, vm2;
	vm3 =	vgt.s32 v6, $0x0;
	_, v7, vm2 =	vpop (xrf1)  }
0x64: {  	v6 =	vnsel vm3, $0x0, v6;
	vm1 =	vmand vm1, vm2  }
0x65: {  	v6 =	vmin.u32 v6, $0x7FF;
	_ =	sdelay $0x2  }
0x66: {  	s20 =	sadd.s32 $0xFFFFFF40, s2  }
0x67: {  	v7 =	vor.u32 s20, v3  }
0x68: {  	[tilespmem:v6+s26+$0x0] =	vst.idx.msk vm1, v7  }
0x69: {  	v6 =	vld [tilespmem:s12+$0xFFFFFFC0]  }
0x6a: {  	v7 =	vld [tilespmem:s25+$0xFFFFFFC0];
	_ =	sdelay $0x3  }
0x6b: {  	v6 =	vshll.u32 v6, $0x4  }
0x6c: {  	v6 =	vadd.s32 v7, v6  }
0x6d: {  	(xrf1) =	vunique.msk.u32 $0xffff, v6;
	_ =	sdelay $0xc  }
0x6e: {  	vm1 =	vge.s32 v6, v1;
	vm2 =	vlt.s32 v6, v0;
	v6 =	vsub.s32 v6, v1  }
0x6f: {  	vm1 =	vmand vm1, vm2;
	vm3 =	vgt.s32 v6, $0x0;
	_, v7, vm2 =	vpop (xrf1)  }
0x70: {  	v6 =	vnsel vm3, $0x0, v6;
	vm1 =	vmand vm1, vm2  }
0x71: {  	v6 =	vmin.u32 v6, $0x7FF;
	_ =	sdelay $0x2  }
0x72: {  	s6 =	sadd.s32 $0xFFFFFF50, s2  }
0x73: {  	v7 =	vor.u32 s6, v3  }
0x74: {  	[tilespmem:v6+s26+$0x0] =	vst.idx.msk vm1, v7  }
0x75: {  	v6 =	vld [tilespmem:s12+$0xFFFFFFD0]  }
0x76: {  	v7 =	vld [tilespmem:s25+$0xFFFFFFD0];
	_ =	sdelay $0x3  }
0x77: {  	v6 =	vshll.u32 v6, $0x4  }
0x78: {  	v6 =	vadd.s32 v7, v6  }
0x79: {  	(xrf1) =	vunique.msk.u32 $0xffff, v6;
	_ =	sdelay $0xc  }
0x7a: {  	vm1 =	vge.s32 v6, v1;
	vm2 =	vlt.s32 v6, v0;
	v6 =	vsub.s32 v6, v1  }
0x7b: {  	vm1 =	vmand vm1, vm2;
	vm3 =	vgt.s32 v6, $0x0;
	_, v7, vm2 =	vpop (xrf1)  }
0x7c: {  	v6 =	vnsel vm3, $0x0, v6;
	vm1 =	vmand vm1, vm2  }
0x7d: {  	v6 =	vmin.u32 v6, $0x7FF;
	_ =	sdelay $0x2  }
0x7e: {  	s7 =	sadd.s32 $0xFFFFFF60, s2  }
0x7f: {  	v7 =	vor.u32 s7, v3  }
0x80: {  	[tilespmem:v6+s26+$0x0] =	vst.idx.msk vm1, v7  }
0x81: {  	v6 =	vld [tilespmem:s12+$0xFFFFFFE0]  }
0x82: {  	v7 =	vld [tilespmem:s25+$0xFFFFFFE0];
	_ =	sdelay $0x3  }
0x83: {  	v6 =	vshll.u32 v6, $0x4  }
0x84: {  	v6 =	vadd.s32 v7, v6  }
0x85: {  	(xrf1) =	vunique.msk.u32 $0xffff, v6;
	_ =	sdelay $0xc  }
0x86: {  	vm1 =	vge.s32 v6, v1;
	vm2 =	vlt.s32 v6, v0;
	v6 =	vsub.s32 v6, v1  }
0x87: {  	vm1 =	vmand vm1, vm2;
	vm3 =	vgt.s32 v6, $0x0;
	_, v7, vm2 =	vpop (xrf1)  }
0x88: {  	v6 =	vnsel vm3, $0x0, v6;
	vm1 =	vmand vm1, vm2  }
0x89: {  	v6 =	vmin.u32 v6, $0x7FF;
	_ =	sdelay $0x2  }
0x8a: {  	s13 =	sadd.s32 $0xFFFFFF70, s2  }
0x8b: {  	v7 =	vor.u32 s13, v3  }
0x8c: {  	[tilespmem:v6+s26+$0x0] =	vst.idx.msk vm1, v7  }
0x8d: {  	v6 =	vld [tilespmem:s12+$0xFFFFFFF0]  }
0x8e: {  	v7 =	vld [tilespmem:s25+$0xFFFFFFF0];
	_ =	sdelay $0x3  }
0x8f: {  	v6 =	vshll.u32 v6, $0x4  }
0x90: {  	v6 =	vadd.s32 v7, v6  }
0x91: {  	(xrf1) =	vunique.msk.u32 $0xffff, v6;
	_ =	sdelay $0xc  }
0x92: {  	vm1 =	vge.s32 v6, v1;
	vm2 =	vlt.s32 v6, v0;
	v6 =	vsub.s32 v6, v1  }
0x93: {  	vm1 =	vmand vm1, vm2;
	vm3 =	vgt.s32 v6, $0x0;
	_, v7, vm2 =	vpop (xrf1)  }
0x94: {  	v6 =	vnsel vm3, $0x0, v6;
	vm1 =	vmand vm1, vm2  }
0x95: {  	v6 =	vmin.u32 v6, $0x7FF;
	_ =	sdelay $0x2  }
0x96: {  	s14 =	sadd.s32 $0xFFFFFF80, s2  }
0x97: {  	v7 =	vor.u32 s14, v3  }
0x98: {  	[tilespmem:v6+s26+$0x0] =	vst.idx.msk vm1, v7  }
0x99: {  	_ =	swait.ge [sflag:s28], $0x800  }
0x9a: {  	[sflag:s28] =	ssyncset.done $0x0  }
0x9b: {  	s15 =	sor.u32 $0x1C03, s9;
	[sflag:s28] =	ssyncadd.s32 $0xFFFFF800  }
0x9c: {  	[hbm:s19], [sflag:s15] =	dma.local [spmem:s21], $0x800  }
0x9d: {  	_ =	swait.ge [sflag:s29], $0x800  }
0x9e: {  	[sflag:s29] =	ssyncset.done $0x0  }
0x9f: {  	s16 =	sadd.s32 $0x800, s19;
	s20 =	sor.u32 $0x1C04, s9;
	[sflag:s29] =	ssyncadd.s32 $0xFFFFF800  }
0xa0: {  	[hbm:s16], [sflag:s20] =	dma.local [spmem:s23], $0x800  }
0xa1: {  	v6 =	vld [tilespmem:s12+$0x0]  }
0xa2: {  	v7 =	vld [tilespmem:s25+$0x0];
	_ =	sdelay $0x3  }
0xa3: {  	v6 =	vshll.u32 v6, $0x4  }
0xa4: {  	v6 =	vadd.s32 v7, v6  }
0xa5: {  	(xrf1) =	vunique.msk.u32 $0xffff, v6;
	_ =	sdelay $0xc  }
0xa6: {  	vm1 =	vge.s32 v6, v1;
	vm2 =	vlt.s32 v6, v0;
	v6 =	vsub.s32 v6, v1  }
0xa7: {  	vm1 =	vmand vm1, vm2;
	vm3 =	vgt.s32 v6, $0x0;
	_, v7, vm2 =	vpop (xrf1)  }
0xa8: {  	v6 =	vnsel vm3, $0x0, v6;
	vm1 =	vmand vm1, vm2  }
0xa9: {  	v6 =	vmin.u32 v6, $0x7FF;
	_ =	sdelay $0x2  }
0xaa: {  	s17 =	sadd.s32 $0xFFFFFF90, s2  }
0xab: {  	v7 =	vor.u32 s17, v3  }
0xac: {  	[tilespmem:v6+s26+$0x0] =	vst.idx.msk vm1, v7  }
0xad: {  	v6 =	vld [tilespmem:s12+$0x10]  }
0xae: {  	v7 =	vld [tilespmem:s25+$0x10];
	_ =	sdelay $0x3  }
0xaf: {  	v6 =	vshll.u32 v6, $0x4  }
0xb0: {  	v6 =	vadd.s32 v7, v6  }
0xb1: {  	(xrf1) =	vunique.msk.u32 $0xffff, v6;
	_ =	sdelay $0xc  }
0xb2: {  	vm1 =	vge.s32 v6, v1;
	vm2 =	vlt.s32 v6, v0;
	v6 =	vsub.s32 v6, v1  }
0xb3: {  	vm1 =	vmand vm1, vm2;
	vm3 =	vgt.s32 v6, $0x0;
	_, v7, vm2 =	vpop (xrf1)  }
0xb4: {  	v6 =	vnsel vm3, $0x0, v6;
	vm1 =	vmand vm1, vm2  }
0xb5: {  	v6 =	vmin.u32 v6, $0x7FF;
	_ =	sdelay $0x2  }
0xb6: {  	s18 =	sadd.s32 $0xFFFFFFA0, s2  }
0xb7: {  	v7 =	vor.u32 s18, v3  }
0xb8: {  	[tilespmem:v6+s26+$0x0] =	vst.idx.msk vm1, v7  }
0xb9: {  	v6 =	vld [tilespmem:s12+$0x20]  }
0xba: {  	v7 =	vld [tilespmem:s25+$0x20];
	_ =	sdelay $0x3  }
0xbb: {  	v6 =	vshll.u32 v6, $0x4  }
0xbc: {  	v6 =	vadd.s32 v7, v6  }
0xbd: {  	(xrf1) =	vunique.msk.u32 $0xffff, v6;
	_ =	sdelay $0xc  }
0xbe: {  	vm1 =	vge.s32 v6, v1;
	vm2 =	vlt.s32 v6, v0;
	v6 =	vsub.s32 v6, v1  }
0xbf: {  	vm1 =	vmand vm1, vm2;
	vm3 =	vgt.s32 v6, $0x0;
	_, v7, vm2 =	vpop (xrf1)  }
0xc0: {  	v6 =	vnsel vm3, $0x0, v6;
	vm1 =	vmand vm1, vm2  }
0xc1: {  	v6 =	vmin.u32 v6, $0x7FF;
	_ =	sdelay $0x2  }
0xc2: {  	s20 =	sadd.s32 $0xFFFFFFB0, s2  }
0xc3: {  	v7 =	vor.u32 s20, v3  }
0xc4: {  	[tilespmem:v6+s26+$0x0] =	vst.idx.msk vm1, v7  }
0xc5: {  	v6 =	vld [tilespmem:s12+$0x30]  }
0xc6: {  	v7 =	vld [tilespmem:s25+$0x30];
	_ =	sdelay $0x3  }
0xc7: {  	v6 =	vshll.u32 v6, $0x4  }
0xc8: {  	v6 =	vadd.s32 v7, v6  }
0xc9: {  	(xrf1) =	vunique.msk.u32 $0xffff, v6;
	_ =	sdelay $0xc  }
0xca: {  	vm1 =	vge.s32 v6, v1;
	vm2 =	vlt.s32 v6, v0;
	v6 =	vsub.s32 v6, v1  }
0xcb: {  	vm1 =	vmand vm1, vm2;
	vm3 =	vgt.s32 v6, $0x0;
	_, v7, vm2 =	vpop (xrf1)  }
0xcc: {  	v6 =	vnsel vm3, $0x0, v6;
	vm1 =	vmand vm1, vm2  }
0xcd: {  	v6 =	vmin.u32 v6, $0x7FF;
	_ =	sdelay $0x2  }
0xce: {  	s6 =	sadd.s32 $0xFFFFFFC0, s2  }
0xcf: {  	v7 =	vor.u32 s6, v3  }
0xd0: {  	[tilespmem:v6+s26+$0x0] =	vst.idx.msk vm1, v7  }
0xd1: {  	v6 =	vld [tilespmem:s12+$0x40]  }
0xd2: {  	v7 =	vld [tilespmem:s25+$0x40];
	_ =	sdelay $0x3  }
0xd3: {  	v6 =	vshll.u32 v6, $0x4  }
0xd4: {  	v6 =	vadd.s32 v7, v6  }
0xd5: {  	(xrf1) =	vunique.msk.u32 $0xffff, v6;
	_ =	sdelay $0xc  }
0xd6: {  	vm1 =	vge.s32 v6, v1;
	vm2 =	vlt.s32 v6, v0;
	v6 =	vsub.s32 v6, v1  }
0xd7: {  	vm1 =	vmand vm1, vm2;
	vm3 =	vgt.s32 v6, $0x0;
	_, v7, vm2 =	vpop (xrf1)  }
0xd8: {  	v6 =	vnsel vm3, $0x0, v6;
	vm1 =	vmand vm1, vm2  }
0xd9: {  	v6 =	vmin.u32 v6, $0x7FF;
	_ =	sdelay $0x2  }
0xda: {  	s7 =	sadd.s32 $0xFFFFFFD0, s2  }
0xdb: {  	v7 =	vor.u32 s7, v3  }
0xdc: {  	[tilespmem:v6+s26+$0x0] =	vst.idx.msk vm1, v7  }
0xdd: {  	v6 =	vld [tilespmem:s12+$0x50]  }
0xde: {  	v7 =	vld [tilespmem:s25+$0x50];
	_ =	sdelay $0x3  }
0xdf: {  	v6 =	vshll.u32 v6, $0x4  }
0xe0: {  	v6 =	vadd.s32 v7, v6  }
0xe1: {  	(xrf1) =	vunique.msk.u32 $0xffff, v6;
	_ =	sdelay $0xc  }
0xe2: {  	vm1 =	vge.s32 v6, v1;
	vm2 =	vlt.s32 v6, v0;
	v6 =	vsub.s32 v6, v1  }
0xe3: {  	vm1 =	vmand vm1, vm2;
	vm3 =	vgt.s32 v6, $0x0;
	_, v7, vm2 =	vpop (xrf1)  }
0xe4: {  	v6 =	vnsel vm3, $0x0, v6;
	vm1 =	vmand vm1, vm2  }
0xe5: {  	v6 =	vmin.u32 v6, $0x7FF;
	_ =	sdelay $0x2  }
0xe6: {  	s13 =	sadd.s32 $0xFFFFFFE0, s2  }
0xe7: {  	v7 =	vor.u32 s13, v3  }
0xe8: {  	[tilespmem:v6+s26+$0x0] =	vst.idx.msk vm1, v7  }
0xe9: {  	v6 =	vld [tilespmem:s12+$0x60]  }
0xea: {  	v7 =	vld [tilespmem:s25+$0x60];
	_ =	sdelay $0x3  }
0xeb: {  	v6 =	vshll.u32 v6, $0x4  }
0xec: {  	v6 =	vadd.s32 v7, v6  }
0xed: {  	(xrf1) =	vunique.msk.u32 $0xffff, v6;
	_ =	sdelay $0xc  }
0xee: {  	vm1 =	vge.s32 v6, v1;
	vm2 =	vlt.s32 v6, v0;
	v6 =	vsub.s32 v6, v1  }
0xef: {  	vm1 =	vmand vm1, vm2;
	vm3 =	vgt.s32 v6, $0x0;
	_, v7, vm2 =	vpop (xrf1)  }
0xf0: {  	v6 =	vnsel vm3, $0x0, v6;
	vm1 =	vmand vm1, vm2  }
0xf1: {  	v6 =	vmin.u32 v6, $0x7FF;
	_ =	sdelay $0x2  }
0xf2: {  	s14 =	sadd.s32 $0xFFFFFFF0, s2  }
0xf3: {  	v7 =	vor.u32 s14, v3  }
0xf4: {  	[tilespmem:v6+s26+$0x0] =	vst.idx.msk vm1, v7  }
0xf5: {  	v6 =	vld [tilespmem:s12+$0x70]  }
0xf6: {  	v7 =	vld [tilespmem:s25+$0x70];
	_ =	sdelay $0x3  }
0xf7: {  	v6 =	vshll.u32 v6, $0x4  }
0xf8: {  	v6 =	vadd.s32 v7, v6  }
0xf9: {  	(xrf1) =	vunique.msk.u32 $0xffff, v6;
	_ =	sdelay $0xc  }
0xfa: {  	vm1 =	vge.s32 v6, v1;
	vm2 =	vlt.s32 v6, v0;
	v6 =	vsub.s32 v6, v1  }
0xfb: {  	vm1 =	vmand vm1, vm2;
	vm3 =	vgt.s32 v6, $0x0;
	_, v7, vm2 =	vpop (xrf1)  }
0xfc: {  	v6 =	vnsel vm3, $0x0, v6;
	vm1 =	vmand vm1, vm2  }
0xfd: {  	v6 =	vmin.u32 v6, $0x7FF;
	_ =	sdelay $0x3  }
0xfe: {  	v7 =	vor.u32 s2, v3  }
0xff: {  	[tilespmem:v6+s26+$0x0] =	vst.idx.msk vm1, v7  }
0x100: {  	_ =	swait.ge [sflag:s22], $0x800  }
0x101: {  	s16 =	smin.u32 s3, $0x7D;
	s15 =	rddreg [dreg:$0x6]  }
0x102: {  	s10 =	sadd.s32 s16, s15  }
0x103: {  	[sflag:s22] =	ssyncset.done $0x0;
	s10 =	sshll.u32 s10, $0xB  }
0x104: {  	[sflag:s22] =	ssyncadd.s32 $0xFFFFF800;
	s10 =	sadd.s32 s1, s10  }
0x105: {  	[spmem:s21], [sflag:s11] =	dma.local [hbm:s10], $0x800  }
0x106: {  	p0 =	sne.s32 s2, $0x3FF0;
	s19 =	sadd.s32 $0x1000, s19;
	_ =	swait.ge [sflag:s24], $0x800  }
.Ltmp3:
0x107: {  	s18 =	smin.u32 s3, $0x7C;
	s17 =	rddreg [dreg:$0x7];
	(pc) =	sbr.rel @p0 .LBB2_4-.Ltmp3, $4  }
0x108: {  	s3 =	sadd.s32 $0x2, s3;
	s25 =	sadd.s32 $0x100, s25;
	s10 =	sadd.s32 s18, s17  }
0x109: {  	s12 =	sadd.s32 $0x100, s12;
	[sflag:s24] =	ssyncset.done $0x0;
	s10 =	sshll.u32 s10, $0xB  }
0x10a: {  	s2 =	sadd.s32 $0x100, s2;
	[sflag:s24] =	ssyncadd.s32 $0xFFFFF800;
	s10 =	sadd.s32 s1, s10  }
0x10b: {  	[spmem:s23], [sflag:s8] =	dma.local [hbm:s10], $0x800  }
0x10c: {  	_ =	swait.ge [sflag:s28], $0x800  }
0x10d: {  	[sflag:s28] =	ssyncset.done $0x0  }
0x10e: {  	[sflag:s28] =	ssyncadd.s32 $0xFFFFF800  }
0x10f: {  	_ =	swait.ge [sflag:s29], $0x800  }
0x110: {  	[sflag:s29] =	ssyncset.done $0x0  }
0x111: {  	s2 =	simm.s32 $0x0;
	[sflag:s29] =	ssyncadd.s32 $0xFFFFF800  }
0x112: {  	v9 =	vld [tilespmem:s2+$0x8000];
	_ =	sdelay $0x4  }
0x113: {  	vm1 =	vgt.s32 v9, $0xFFFFFFFF  }
0x114: {  	v6 =	vsel vm1, $0x1, v4  }
0x115: {  	(xrf0) =	vadd.scan.msk.s32 $0xffff, v6;
	_ =	sdelay $0x1  }
0x116: {  	v8 =	vor.u32 $0x80000000, v3  }
0x117: {  	v6 =	vnsel vm1, $0x7FFFFFFF, v8  }
0x118: {  	(xrf0) =	vmax.scan.msk.u32 $0xffff, v6;
	_ =	sdelay $0x1  }
0x119: {  	v6 =	vimm.s32 $0x0;
	v7, _, _ =	vpop (xrf0)  }
0x11a: {  	v7 =	vadd.s32 v7, v6  }
0x11b: {  	v7 =	vadd.s32 $0xFFFFFFFF, v7  }
0x11c: {  	vm2 =	vgt.s32 v7, $0x0  }
0x11d: {  	v10, _, _ =	vpop (xrf0);
	v7 =	vnsel vm2, $0x0, v7  }
0x11e: {  	v10 =	vxor.u32 $0x80000000, v10;
	v7 =	vmin.u32 v7, $0x7FF  }
0x11f: {  	v10 =	vperm.xlane v10, v5;
	v11 =	vshll.u32 v7, $0x2  }
0x120: {  	v7 =	vand.u32 $0x1F, v7;
	v11 =	vand.u32 $0x1F80, v11  }
0x121: {  	vm2 =	vgt.s32 v10, $0x0;
	v12 =	vor.u32 v7, v11  }
0x122: {  	s2 =	rddreg [dreg:$0x8];
	v7 =	vnsel vm2, $0x0, v10  }
0x123: {  	v13 =	vmpcnt.ones.xlane vm1;
	v11 =	vor.u32 s2, v3;
	v7 =	vmin.u32 v7, $0xF  }
0x124: {  	v14 =	vperm.xlane v9, v7;
	v15 =	vperm.xlane v11, v7  }
0x125: {  	v10 =	vadd.s32 v6, v13;
	vm2 =	vgt.s32 v13, $0x0  }
0x126: {  	s3 =	simm.s32 $0x40;
	s12 =	simm.s32 $0x80;
	v7 =	vsel vm2, v14, v6;
	v6 =	vsel vm2, v15, v1;
	[tilespmem:v12+s0+$0x0] =	vst.idx.msk vm1, v9;
	v9 =	vmov v10  }
.LBB2_6:
0x127: {  	s10 =	sshra.s32 s3, $0x2  }
0x128: {  	[tilespmem:v12+s5+$0x0] =	vst.idx.msk vm1, v11;
	s2 =	sadd.s32 $0x10, s2;
	s3 =	smov.u32 s12;
	s19 =	sadd.s32 $0x40, s12  }
0x129: {  	p0 =	sne.s32 s12, $0x1FC0;
	v13 =	vld [tilespmem:s10+$0x8000];
	_ =	sdelay $0x4  }
0x12a: {  	vm1 =	vgt.s32 v13, $0xFFFFFFFF  }
0x12b: {  	v11 =	vsel vm1, $0x1, v4;
	v14 =	vmpcnt.ones.xlane vm1;
	v12 =	vnsel vm1, $0x7FFFFFFF, v8  }
0x12c: {  	(xrf0) =	vadd.scan.msk.s32 $0xffff, v11  }
0x12d: {  	v10 =	vadd.s32 v10, v14;
	(xrf0) =	vmax.scan.msk.u32 $0xffff, v12;
	_ =	sdelay $0x4  }
0x12e: {  	v11, _, _ =	vpop (xrf0)  }
0x12f: {  	v11 =	vadd.s32 v11, v9;
	v12, _, _ =	vpop (xrf0);
	v9 =	vmov v10  }
0x130: {  	v11 =	vadd.s32 $0xFFFFFFFF, v11;
	v12 =	vxor.u32 $0x80000000, v12  }
0x131: {  	vm2 =	vgt.s32 v11, $0x0;
	v12 =	vperm.xlane v12, v5  }
0x132: {  	v11 =	vnsel vm2, $0x0, v11  }
0x133: {  	v15 =	vmin.u32 v11, $0x7FF;
	vm2 =	vgt.s32 v12, $0x0  }
0x134: {  	v11 =	vor.u32 s2, v3;
	v16 =	vshll.u32 v15, $0x2;
	v12 =	vnsel vm2, $0x0, v12  }
0x135: {  	v15 =	vand.u32 $0x1F, v15;
	v16 =	vand.u32 $0x1F80, v16;
	v17 =	vmin.u32 v12, $0xF  }
0x136: {  	v12 =	vor.u32 v15, v16;
	v15 =	vperm.xlane v13, v17;
	v16 =	vperm.xlane v11, v17  }
.Ltmp4:
0x137: {  	vm2 =	vgt.s32 v14, $0x0;
	(pc) =	sbr.rel @p0 .LBB2_6-.Ltmp4, $2  }
0x138: {  	v7 =	vsel vm2, v15, v7;
	v6 =	vsel vm2, v16, v6;
	_ =	sdelay $0x2  }
0x139: {  	s12 =	smov.u32 s19;
	[tilespmem:v12+s0+$0x0] =	vst.idx.msk vm1, v13  }
0x13a: {  	_ =	sdelay $0x4  }
0x13b: {  	s3 =	sshra.s32 s3, $0x2;
	[tilespmem:v12+s5+$0x0] =	vst.idx.msk vm1, v11  }
0x13c: {  	v11 =	vld [tilespmem:s3+$0x8000];
	_ =	sdelay $0x4  }
0x13d: {  	vm1 =	vgt.s32 v11, $0xFFFFFFFF  }
0x13e: {  	v54 =	vmpcnt.ones.xlane vm1  }
0x13f: {  	v13 =	vsel vm1, $0x1, v4  }
0x140: {  	v8 =	vnsel vm1, $0x7FFFFFFF, v8;
	(xrf0) =	vadd.scan.msk.s32 $0xffff, v13;
	v10 =	vadd.s32 v10, v54  }
0x141: {  	(xrf0) =	vmax.scan.msk.u32 $0xffff, v8;
	v55 =	vxor.u32 $0x80000000, v10  }
0x142: {  	(xrf0) =	vmax.scan.msk.u32 $0xffff, v55;
	_ =	sdelay $0x3  }
0x143: {  	v56, _, _ =	vpop (xrf0)  }
0x144: {  	v57, _, _ =	vpop (xrf0)  }
0x145: {  	v58, _, _ =	vpop (xrf0)  }
0x146: {  	(v2sf) =	vpush v58, $0xF;
	_ =	sdelay $0xe  }
0x147: {  	v8 =	vadd.s32 v56, v9;
	s24 =	spop (v2sf)  }
0x148: {  	v8 =	vadd.s32 $0xFFFFFFFF, v8;
	s3 =	sxor.u32 $0x80000000, s24  }
0x149: {  	v10 =	vxor.u32 $0x80000000, v57;
	vm2 =	vgt.s32 v8, $0x0;
	p0 =	sgt.s32 s3, $0x0  }
0x14a: {  	v10 =	vperm.xlane v10, v5;
	v8 =	vnsel vm2, $0x0, v8;
	s3 =	simm.s32 @!p0 $0x0  }
0x14b: {  	v8 =	vmin.u32 v8, $0x7FF;
	s3 =	smin.u32 s3, $0x800  }
0x14c: {  	vm2 =	vgt.s32 v10, $0x0;
	v60 =	vshll.u32 v8, $0x2;
	v14 =	vadd.s32 s3, v3  }
0x14d: {  	v8 =	vand.u32 $0x1F, v8;
	v13 =	vand.u32 $0x1F80, v60;
	s10 =	sadd.s32 $0x10, s3;
	v14 =	vmin.u32 v14, $0x81F  }
0x14e: {  	v8 =	vor.u32 v8, v13;
	v59 =	vadd.s32 s10, v3;
	v61 =	vshll.u32 v14, $0x2  }
0x14f: {  	v14 =	vand.u32 $0x1F, v14;
	v9 =	vmin.u32 v59, $0x81F;
	v13 =	vand.u32 $0x3F80, v61  }
0x150: {  	s6 =	rddreg [dreg:$0x12];
	v10 =	vnsel vm2, $0x0, v10;
	v62 =	vshll.u32 v9, $0x2;
	v13 =	vor.u32 v14, v13  }
0x151: {  	s2 =	sadd.s32 $0x10, s2;
	s7 =	rddreg [dreg:$0x13];
	v10 =	vmin.u32 v10, $0xF;
	s25 =	sadd.s32 $0x1F, s3;
	v9 =	vand.u32 $0x1F, v9;
	v14 =	vand.u32 $0x7FFFFF80, v62  }
0x152: {  	s13 =	rddreg [dreg:$0x14];
	v15 =	vor.u32 s2, v3;
	v63 =	vperm.xlane v11, v10;
	s2 =	sshrl.u32 s25, $0x5;
	v9 =	vor.u32 v9, v14  }
0x153: {  	s14 =	rddreg [dreg:$0x15];
	vm2 =	vgt.s32 v54, $0x0;
	v10 =	vperm.xlane v15, v10;
	[tilespmem:v8+s0+$0x0] =	vst.idx.msk vm1, v11;
	p0 =	seq.s32 s2, $0x0  }
.Ltmp5:
0x154: {  	s11 =	simm.s32 $0x10800;
	s15 =	rddreg [dreg:$0x16];
	v7 =	vsel vm2, v63, v7;
	[tilespmem:v8+s5+$0x0] =	vst.idx.msk vm1, v15;
	(pc) =	sbr.rel @p0 .LBB2_10-.Ltmp5, $4  }
0x155: {  	s22 =	simm.s32 $0x11000;
	s28 =	simm.s32 $0x12800;
	s16 =	rddreg [dreg:$0x17];
	v6 =	vsel vm2, v10, v6;
	[tilespmem:v13+s0+$0x0] =	vst.idx.msk $0xffff, v7  }
0x156: {  	s29 =	simm.s32 $0x13000;
	s9 =	simm.s32 $0x14000;
	s17 =	rddreg [dreg:$0x18];
	[tilespmem:v13+s5+$0x0] =	vst.idx.msk $0xffff, v6  }
0x157: {  	s21 =	simm.s32 $0x14800;
	s23 =	simm.s32 $0x5;
	s18 =	rddreg [dreg:$0x19];
	[tilespmem:v9+s0+$0x0] =	vst.idx.msk $0xffff, v7  }
0x158: {  	s19 =	simm.s32 $0xE800;
	s25 =	simm.s32 $0x13800;
	s10 =	simm.s32 $0x6;
	[tilespmem:v9+s5+$0x0] =	vst.idx.msk $0xffff, v6  }
0x159: {  	s3 =	simm.s32 $0x8810;
	s12 =	simm.s32 $0xAC10  }
.LBB2_9:
0x15a: {  	v6 =	vld [tilespmem:s3+$0xFFFFFFF0];
	_ =	sdelay $0x4  }
0x15b: {  	v7 =	vshll.u32 v6, $0x3  }
0x15c: {  	v6 =	vand.u32 $0x7, v6;
	v7 =	vand.u32 $0xFFFFFFC0, v7  }
0x15d: {  	v8 =	vshrl.u32 v3, $0x3;
	v6 =	vor.u32 v6, v7;
	v7 =	vand.u32 $0x7, v3  }
0x15e: {  	v8 =	vmul.u32 $0x8, v8;
	v9 =	vperm.xlane v6, v7;
	_ =	sdelay $0x1  }
0x15f: {  	v9 =	vadd.s32 v8, v9;
	_ =	sdelay $0x3  }
0x160: {  	s20 =	simm.s32 $0xD000  }
0x161: {  	v10 =	vor.u32 $0x8, v3;
	[tilespmem:s20], [sflag:$0x5] =	stream.indirect_vreg.gather [hbm4b:s6+s4], $0x80, v9, vm0, $0xb8;
	[tilespmem:$0x1D000] =	vst v63  }
0x162: {  	s1 =	simm.s32 $0xD800;
	v6 =	vperm.xlane v6, v10  }
0x163: {  	[tilespmem:s1], [sflag:$0x5] =	stream.indirect_vreg.gather [hbm4b:s13+s4], $0x80, v9, vm0, $0xb8;
	[tilespmem:$0x1D000] =	vst v63  }
0x164: {  	s8 =	simm.s32 $0xE000;
	v6 =	vadd.s32 v8, v6  }
0x165: {  	[tilespmem:s8], [sflag:$0x5] =	stream.indirect_vreg.gather [hbm4b:s14+s4], $0x80, v9, vm0, $0xb8;
	[tilespmem:$0x1D000] =	vst v63  }
0x166: {  	_ = 	snop  }
0x167: {  	[tilespmem:s19], [sflag:$0x5] =	stream.indirect_vreg.gather [hbm4b:s16+s4], $0x80, v9, vm0, $0xb8;
	[tilespmem:$0x1D000] =	vst v63  }
0x168: {  	s8 =	simm.s32 $0xF000  }
0x169: {  	[tilespmem:s8], [sflag:$0x5] =	stream.indirect_vreg.gather [hbm4b:s6+s4], $0x80, v6, vm0, $0xb8;
	[tilespmem:$0x1D000] =	vst v63  }
0x16a: {  	s24 =	simm.s32 $0xF800  }
0x16b: {  	[tilespmem:s24], [sflag:$0x5] =	stream.indirect_vreg.gather [hbm4b:s13+s4], $0x80, v6, vm0, $0xb8;
	[tilespmem:$0x1D000] =	vst v63  }
0x16c: {  	s24 =	simm.s32 $0x10000  }
0x16d: {  	[tilespmem:s24], [sflag:$0x5] =	stream.indirect_vreg.gather [hbm4b:s14+s4], $0x80, v6, vm0, $0xb8;
	[tilespmem:$0x1D000] =	vst v63  }
0x16e: {  	_ = 	snop  }
0x16f: {  	[tilespmem:s11], [sflag:$0x5] =	stream.indirect_vreg.gather [hbm4b:s16+s4], $0x80, v6, vm0, $0xb8;
	[tilespmem:$0x1D000] =	vst v63  }
0x170: {  	v6 =	vld [tilespmem:s3+$0x0];
	_ =	sdelay $0x4  }
0x171: {  	v61 =	vshll.u32 v6, $0x3  }
0x172: {  	v6 =	vand.u32 $0x7, v6;
	v9 =	vand.u32 $0xFFFFFFC0, v61  }
0x173: {  	v6 =	vor.u32 v6, v9  }
0x174: {  	v9 =	vperm.xlane v6, v7;
	_ =	sdelay $0x1  }
0x175: {  	v9 =	vadd.s32 v8, v9;
	_ =	sdelay $0x4  }
0x176: {  	[tilespmem:s22], [sflag:$0x5] =	stream.indirect_vreg.gather [hbm4b:s6+s4], $0x80, v9, vm0, $0xb8;
	[tilespmem:$0x1D000] =	vst v63  }
0x177: {  	v6 =	vperm.xlane v6, v10  }
0x178: {  	[tilespmem:s30], [sflag:$0x5] =	stream.indirect_vreg.gather [hbm4b:s13+s4], $0x80, v9, vm0, $0xb8;
	[tilespmem:$0x1D000] =	vst v63  }
0x179: {  	v6 =	vadd.s32 v8, v6  }
0x17a: {  	[tilespmem:s31], [sflag:$0x5] =	stream.indirect_vreg.gather [hbm4b:s14+s4], $0x80, v9, vm0, $0xb8;
	[tilespmem:$0x1D000] =	vst v63  }
0x17b: {  	_ = 	snop  }
0x17c: {  	[tilespmem:s28], [sflag:$0x5] =	stream.indirect_vreg.gather [hbm4b:s16+s4], $0x80, v9, vm0, $0xb8;
	[tilespmem:$0x1D000] =	vst v63  }
0x17d: {  	_ = 	snop  }
0x17e: {  	[tilespmem:s29], [sflag:$0x5] =	stream.indirect_vreg.gather [hbm4b:s6+s4], $0x80, v6, vm0, $0xb8;
	[tilespmem:$0x1D000] =	vst v63  }
0x17f: {  	_ = 	snop  }
0x180: {  	[tilespmem:s25], [sflag:$0x5] =	stream.indirect_vreg.gather [hbm4b:s13+s4], $0x80, v6, vm0, $0xb8;
	[tilespmem:$0x1D000] =	vst v63  }
0x181: {  	_ = 	snop  }
0x182: {  	[tilespmem:s9], [sflag:$0x5] =	stream.indirect_vreg.gather [hbm4b:s14+s4], $0x80, v6, vm0, $0xb8;
	[tilespmem:$0x1D000] =	vst v63  }
0x183: {  	_ = 	snop  }
0x184: {  	[tilespmem:s21], [sflag:$0x5] =	stream.indirect_vreg.gather [hbm4b:s16+s4], $0x80, v6, vm0, $0xb8;
	[tilespmem:$0x1D000] =	vst v63  }
0x185: {  	_ =	swait.ge [sflag:s23], $0x8000  }
0x186: {  	[sflag:s23] =	ssyncset.done $0x0  }
0x187: {  	[sflag:s23] =	ssyncadd.s32 $0xFFFF8000  }
0x188: {  	v6 =	vld [tilespmem:s12+$0xFFFFFFF0];
	_ =	sdelay $0x4  }
0x189: {  	v62 =	vshll.u32 v6, $0x3  }
0x18a: {  	v6 =	vand.u32 $0x7, v6;
	v9 =	vand.u32 $0xFFFFFFC0, v62  }
0x18b: {  	v6 =	vor.u32 v6, v9  }
0x18c: {  	v9 =	vperm.xlane v6, v7;
	_ =	sdelay $0x1  }
0x18d: {  	v9 =	vadd.s32 v8, v9;
	_ =	sdelay $0x4  }
0x18e: {  	[hbm4b:s7+s4] =	stream.indirect_vreg.scatter [tilespmem:s20], [sflag:$0x6], $0x80, v9, vm0, $0xb8;
	[tilespmem:$0x1D000] =	vst v63  }
0x18f: {  	v6 =	vperm.xlane v6, v10;
	s20 =	simm.s32 $0xD800  }
0x190: {  	[hbm4b:s15+s4] =	stream.indirect_vreg.scatter [tilespmem:s20], [sflag:$0x6], $0x80, v9, vm0, $0xb8;
	[tilespmem:$0x1D000] =	vst v63  }
0x191: {  	v6 =	vadd.s32 v8, v6;
	s20 =	simm.s32 $0xE000  }
0x192: {  	[hbm4b:s17+s4] =	stream.indirect_vreg.scatter [tilespmem:s20], [sflag:$0x6], $0x80, v9, vm0, $0xb8;
	[tilespmem:$0x1D000] =	vst v63  }
0x193: {  	_ = 	snop  }
0x194: {  	[hbm4b:s18+s4] =	stream.indirect_vreg.scatter [tilespmem:s19], [sflag:$0x6], $0x80, v9, vm0, $0xb8;
	[tilespmem:$0x1D000] =	vst v63  }
0x195: {  	_ = 	snop  }
0x196: {  	[hbm4b:s7+s4] =	stream.indirect_vreg.scatter [tilespmem:s8], [sflag:$0x6], $0x80, v6, vm0, $0xb8;
	[tilespmem:$0x1D000] =	vst v63  }
0x197: {  	s20 =	simm.s32 $0xF800  }
0x198: {  	[hbm4b:s15+s4] =	stream.indirect_vreg.scatter [tilespmem:s20], [sflag:$0x6], $0x80, v6, vm0, $0xb8;
	[tilespmem:$0x1D000] =	vst v63  }
0x199: {  	_ = 	snop  }
0x19a: {  	[hbm4b:s17+s4] =	stream.indirect_vreg.scatter [tilespmem:s24], [sflag:$0x6], $0x80, v6, vm0, $0xb8;
	[tilespmem:$0x1D000] =	vst v63  }
0x19b: {  	_ = 	snop  }
0x19c: {  	[hbm4b:s18+s4] =	stream.indirect_vreg.scatter [tilespmem:s11], [sflag:$0x6], $0x80, v6, vm0, $0xb8;
	[tilespmem:$0x1D000] =	vst v63  }
0x19d: {  	v6 =	vld [tilespmem:s12+$0x0];
	_ =	sdelay $0x4  }
0x19e: {  	v63 =	vshll.u32 v6, $0x3  }
0x19f: {  	v6 =	vand.u32 $0x7, v6;
	v9 =	vand.u32 $0xFFFFFFC0, v63  }
0x1a0: {  	v6 =	vor.u32 v6, v9  }
0x1a1: {  	v7 =	vperm.xlane v6, v7;
	_ =	sdelay $0x1  }
0x1a2: {  	v7 =	vadd.s32 v8, v7;
	_ =	sdelay $0x4  }
0x1a3: {  	[hbm4b:s7+s4] =	stream.indirect_vreg.scatter [tilespmem:s22], [sflag:$0x6], $0x80, v7, vm0, $0xb8;
	[tilespmem:$0x1D000] =	vst v63  }
0x1a4: {  	v6 =	vperm.xlane v6, v10  }
0x1a5: {  	[hbm4b:s15+s4] =	stream.indirect_vreg.scatter [tilespmem:s30], [sflag:$0x6], $0x80, v7, vm0, $0xb8;
	[tilespmem:$0x1D000] =	vst v63  }
0x1a6: {  	v6 =	vadd.s32 v8, v6  }
0x1a7: {  	[hbm4b:s17+s4] =	stream.indirect_vreg.scatter [tilespmem:s31], [sflag:$0x6], $0x80, v7, vm0, $0xb8;
	[tilespmem:$0x1D000] =	vst v63  }
0x1a8: {  	_ = 	snop  }
0x1a9: {  	[hbm4b:s18+s4] =	stream.indirect_vreg.scatter [tilespmem:s28], [sflag:$0x6], $0x80, v7, vm0, $0xb8;
	[tilespmem:$0x1D000] =	vst v63  }
0x1aa: {  	_ = 	snop  }
0x1ab: {  	[hbm4b:s7+s4] =	stream.indirect_vreg.scatter [tilespmem:s29], [sflag:$0x6], $0x80, v6, vm0, $0xb8;
	[tilespmem:$0x1D000] =	vst v63  }
0x1ac: {  	_ = 	snop  }
0x1ad: {  	[hbm4b:s15+s4] =	stream.indirect_vreg.scatter [tilespmem:s25], [sflag:$0x6], $0x80, v6, vm0, $0xb8;
	[tilespmem:$0x1D000] =	vst v63  }
0x1ae: {  	p0 =	sne.s32 s2, $0x1  }
0x1af: {  	[hbm4b:s17+s4] =	stream.indirect_vreg.scatter [tilespmem:s9], [sflag:$0x6], $0x80, v6, vm0, $0xb8;
	[tilespmem:$0x1D000] =	vst v63  }
.Ltmp6:
0x1b0: {  	_ = 	snop;
	(pc) =	sbr.rel @p0 .LBB2_9-.Ltmp6, $4  }
0x1b1: {  	[hbm4b:s18+s4] =	stream.indirect_vreg.scatter [tilespmem:s21], [sflag:$0x6], $0x80, v6, vm0, $0xb8;
	[tilespmem:$0x1D000] =	vst v63  }
0x1b2: {  	_ =	swait.ge [sflag:s10], $0x8000  }
0x1b3: {  	s2 =	sadd.s32 $0xFFFFFFFF, s2;
	[sflag:s10] =	ssyncset.done $0x0  }
0x1b4: {  	s3 =	sadd.s32 $0x80, s3;
	s12 =	sadd.s32 $0x80, s12;
	[sflag:s10] =	ssyncadd.s32 $0xFFFF8000  }
.Ltmp7:
0x1b5: {  	_ = 	snop;
	(pc) =	sbr.rel .LBB2_10-.Ltmp7, $1  }
0x1b6: {  	_ =	sdelay $0x3  }
.LBB2_11:
0x1b7: {  	_ =	sfence.sel $0x180000  }
0x1b8: {  	[bflag:$0x0] =	sbarrier.arrive $0xFFFF  }
0x1b9: {  	_ =	strace $0x9000004D  }
0x1ba: {  	s0 =	stileid.u32;
	[bflag:$0x2] =	sbarrier.arrive $0xFFFF  }
0x1bb: {  	p0 =	sne.s32 s0, $0x0;
	s0 =	rddreg [dreg:$0x5]  }
0x1bc: {  	s0 =	sadd.s32 @!p0 $0x100000, s0  }
0x1bd: {  	[sflag:s0] =	ssyncadd.tile.s32 @!p0 $0x1;
	_ =	shalt  }
.Lfunc_end2:
_tile_overlayer_lowered:
.L_overlay_start_2:
0x1be: {  	(tag) =	ssettag $0x2  }
0x1bf: {  	s0 =	rddreg [dreg:$0x0];
	s2 =	stileid.u32  }
0x1c0: {  	s1 =	rddreg [dreg:$0x1];
	p0 =	sne.s32 s2, $0x0  }
0x1c1: {  	s3 =	rddreg [dreg:$0x2];
	[bflag:$0x3] =	sbarrier.arrive $0xFFFF;
	s2 =	simm.s32 @!p0 $0x1C07  }
0x1c2: {  	[timem:s3], [sflag:s2] =	dma.local @!p0 [hbm:s0], s1  }
0x1c3: {  	s0 =	simm.s32 @!p0 $0x7  }
0x1c4: {  	_ =	swait.ge @!p0 [sflag:s0], s1  }
0x1c5: {  	s1 =	ssub.s32 @!p0 $0x0, s1;
	[sflag:s0] =	ssyncset.done @!p0 $0x0  }
0x1c6: {  	[sflag:s0] =	ssyncadd.s32 @!p0 s1  }
0x1c7: {  	[bflag:$0x3] =	sbarrier.arrive $0xFFFF  }
0x1c8: {  	_ =	shalt  }

// kernel: sparse-core-data-format-call.1.cloned.1.call-start
scs
called_computation.1_lowered:
.L_overlay_start_0:
0x0: {  	s2 =	sld [smem:$0x3FD9]  }
0x1: {  	s3 =	sld [smem:$0x3FFE];
	_ =	sdelay $0x1  }
0x2: {  	s1 =	srdreg.scid  }
0x3: {  	s0 =	sand.u32 $0x1, s1  }
0x4: {  	s19 =	sshll.u32 s0, $0xA;
	s2 =	sadd.s32 s3, s2  }
0x5: {  	s2 =	sadd.s32 s2, s19  }
0x6: {  	[smem:$0x3FC4] =	sst s2  }
0x7: {  	_ = 	snop  }
0x8: {  	s20 =	sld [smem:$0x3FC8]  }
0x9: {  	s4 =	sld [smem:$0x3FD0];
	(tm) =	ssettm $0x1  }
0xa: {  	s21 =	sld [smem:$0x3FFB];
	_ =	sdelay $0x3  }
0xb: {  	_ =	strace s21  }
0xc: {  	s2 =	sld [smem:$0x3FFC];
	_ =	sdelay $0x3  }
0xd: {  	_ =	strace s2  }
0xe: {  	s2 =	sld [smem:$0x3FFD];
	_ =	sdelay $0x3  }
0xf: {  	_ =	strace s2  }
0x10: {  	_ =	strace $0x8FFFFFFF  }
0x11: {  	s22 =	sld [smem:$0x3FDB];
	_ =	sdelay $0x1  }
0x12: {  	s5 =	simm.s32 $_scs_section_size  }
0x13: {  	s6 =	simm.s32 $_size__tile_overlayer_lowered;
	s7 =	simm.s32 $_tile_overlayer_lowered  }
0x14: {  	s8 =	simm.s32 $0x1BFF;
	s23 =	sshll.u32 s7, $0x1;
	s5 =	sadd.s32 s5, s22  }
0x15: {  	s24 =	simm.s32 $0x0;
	s6 =	sshll.u32 s6, $0x1;
	s7 =	sadd.s32 s23, s5  }
0x16: {  	[timem:s24], [sflag:s8] =	dma.local [hbm:s7], s6  }
0x17: {  	_ =	swait.ge [sflag:s8], s6  }
0x18: {  	s6 =	ssub.s32 $0x0, s6;
	[sflag:s8] =	ssyncset.done $0x0  }
0x19: {  	[sflag:s8] =	ssyncadd.s32 s6;
	_ =	sdelay $0x1  }
0x1a: {  	s25 =	simm.s32 $0x1B8B  }
0x1b: {  	_ =	swait.ge [sflag:s25], $0x1  }
0x1c: {  	[sflag:s25] =	ssyncset.done $0x0  }
0x1d: {  	[sflag:s25] =	ssyncadd.s32 $0xFFFFFFFF  }
0x1e: {  	s6 =	sld [smem:$0x0]  }
0x1f: {  	s7 =	sand.u32 $0xFFFFFFFE, s1  }
0x20: {  	p0 =	sne.s32 s1, s7  }
0x21: {  	s7 =	sshll.u32 @p0 s7, $0xE  }
0x22: {  	s7 =	sadd.s32 @p0 $0x11B8D, s7;
	s8 =	sshll.u32 @p0 s6, $0x11  }
0x23: {  	s7 =	sor.u32 @p0 s8, s7  }
0x24: {  	[sflag:s7] =	ssyncadd.remote.s32 @p0 $0x1;
	_ =	sdelay $0x1  }
0x25: {  	s7 =	simm.s32 @p0 $0x1B8D  }
0x26: {  	_ =	swait.eq @p0 [sflag:s7], $0x1  }
0x27: {  	[sflag:s7] =	ssyncadd.s32 @p0 $0xFFFFFFFF  }
0x28: {  	s8 =	sshll.u32 @!p0 s1, $0xE  }
0x29: {  	s8 =	sor.u32 @!p0 $0x4000, s8;
	s7 =	simm.s32 @!p0 $0x1B8D  }
0x2a: {  	s6 =	sshll.u32 @!p0 s6, $0x11;
	s8 =	sadd.s32 @!p0 $0x11B8D, s8;
	_ =	swait.eq @!p0 [sflag:s7], $0x1  }
0x2b: {  	s6 =	sor.u32 @!p0 s6, s8;
	[sflag:s7] =	ssyncadd.s32 @!p0 $0xFFFFFFFF  }
0x2c: {  	s26 =	simm.s32 $0x1B8E;
	[sflag:s6] =	ssyncadd.remote.s32 @!p0 $0x1  }
0x2d: {  	s27 =	simm.s32 $execute0_lowered;
	[smem:$0x3FD2] =	sst s26  }
0x2e: {  	s6 =	sshll.u32 s27, $0x1;
	_ =	strace $0x80000049;
	[dreg:$0x1] =	wrdreg $0xFFFFFFFF  }
0x2f: {  	s28 =	simm.s32 $_size_execute0_lowered;
	s5 =	sadd.s32 s5, s6;
	[dreg:$0x0] =	wrdreg $0x0  }
0x30: {  	s6 =	sshll.u32 s28, $0x1;
	[dreg:$0x2] =	wrdreg s5  }
0x31: {  	[dreg:$0x3] =	wrdreg s6  }
0x32: {  	[dreg:$0x4] =	wrdreg $0xC0  }
0x33: {  	_ =	task [dreg:s24], $0x5FFFF  }
0x34: {  	[dreg:$0x1] =	wrdreg $0xFFFFFFFF  }
0x35: {  	[dreg:$0x0] =	wrdreg $0x60  }
0x36: {  	[dreg:$0x2] =	wrdreg s20  }
0x37: {  	[dreg:$0x3] =	wrdreg s4  }
0x38: {  	[dreg:$0x4] =	wrdreg $0x9  }
0x39: {  	_ =	task.clear_ibuf [dreg:s24], $0x5FFFF;
	_ =	strace $0x90000049  }
0x3a: {  	s29 =	simm.s32 $0x9;
	_ =	strace $0x8000004B  }
0x3b: {  	_ =	swait.ge [sflag:s29], $0x1  }
0x3c: {  	[sflag:s29] =	ssyncadd.s32 $0xFFFFFFFF  }
0x3d: {  	_ =	strace $0x9000004B  }
0x3e: {  	_ =	sfence  }
0x3f: {  	s30 =	sld [smem:$0x0];
	_ =	sdelay $0x2  }
0x40: {  	s31 =	sshll.u32 s1, $0xD;
	s1 =	sshrl.u32 s1, $0x2  }
0x41: {  	s4 =	sand.u32 $0x4000, s31;
	s1 =	sadd.s32 s1, s30  }
0x42: {  	s0 =	sor.u32 s4, s0;
	s1 =	sshll.u32 s1, $0x11  }
0x43: {  	s0 =	sor.u32 s1, s0  }
0x44: {  	s0 =	sadd.s32 $0x8F2B, s0  }
0x45: {  	[sflag:s0] =	ssyncadd.remote.s32 $0x1  }
0x46: {  	_ =	sfence.sel $0xFFFF  }
0x47: {  	[dreg:$0x0] =	wrdreg $0xFFFFFFFF;
	(pc) =	sbr.abs _section_cstart, $3  }
0x48: {  	[dreg:$0x1] =	wrdreg $0xFFFFFFFF  }
0x49: {  	_ =	task.clear_ibuf [dreg:s24], $0x2FFFF;
	_ =	strace $0x9FFFFFFF  }
0x4a: {  	(tm) =	ssettm $0x7FFFFFFF  }
0x4b: {  	_ =	shalt  }
tec
execute0_lowered:
.L_overlay_start_1:
0x0: {  	(tag) =	ssettag $0x1  }
0x1: {  	s0 =	srdreg.scid  }
0x2: {  	s1 =	sshll.u32 s0, $0x4  }
0x3: {  	s2 =	rddreg [dreg:$0x0];
	s0 =	stileid.u32;
	s1 =	sand.u32 $0x10, s1  }
0x4: {  	s4 =	rddreg [dreg:$0x1];
	s1 =	sor.u32 s0, s1  }
0x5: {  	s7 =	simm.s32 $0x1;
	s8 =	simm.s32 $0x2;
	s3 =	sshll.u32 s1, $0x1  }
0x6: {  	s9 =	simm.s32 $0x0;
	s12 =	simm.s32 $0x0;
	s6 =	ssub.s32 $0x2000, s3  }
.Ltmp0:
0x7: {  	s11 =	simm.s32 $0x0;
	s5 =	sand.u32 $0x3E, s6;
	(pc) =	sbr.rel .LBB1_1-.Ltmp0, $4  }
0x8: {  	s1 =	rddreg [dreg:$0x2];
	_ =	strace $0x8000004A;
	p0 =	sne.s32 s5, $0x0  }
0x9: {  	s6 =	sshrl.u32 s6, $0x6;
	s5 =	simm.s32 $0x1;
	s7 =	simm.s32 @!p0 $0x0  }
0xa: {  	s10 =	smov.u32 s3;
	[sflag:s5] =	ssyncpa.u1 $0x0;
	s6 =	sadd.s32 s7, s6  }
0xb: {  	[sflag:s8] =	ssyncpa.u1 $0x0;
	s8 =	simm.s32 $0x0;
	s7 =	sadd.s32 $0x1, s6  }
.LBB1_9:
0xc: {  	s14 =	sadd.s32 $0x40, s10  }
0xd: {  	p1 =	sgt.s32 s14, $0x1FFF  }
0xe: {  	s14 =	smov.u32 @p1 s3;
	p1 =	sne.s32 s11, s7  }
.Ltmp1:
0xf: {  	p0 =	slt.u32 s11, $0x2;
	(pc) =	sbr.rel @!p1 .LBB1_10-.Ltmp1, $4  }
0x10: {  	s13 =	simm.s32 @!p0 $0x2  }
0x11: {  	s15 =	sadd.s32 $0x1, s11;
	_ =	swait.ge @!p0 [sflag:s13], $0x4000  }
0x12: {  	s12 =	smov.u32 s10;
	s9 =	sadd.s32 $0x4000, s9;
	[sflag:s13] =	ssyncset.done @!p0 $0x0  }
0x13: {  	s11 =	smov.u32 s15;
	s10 =	smov.u32 s14;
	[sflag:s13] =	ssyncadd.s32 @!p0 $0xFFFFC000  }
.LBB1_1:
0x14: {  	p0 =	sge.u32 s11, s6  }
0x15: {  	s13 =	sxor.u32 @!p0 $0xFFFFFFFF, s11  }
0x16: {  	s31 =	sadd.s32 $0xFFFFFFFF, s11;
	s14 =	sshll.u32 @!p0 s10, $0xA;
	s13 =	sshll.u32 @!p0 s13, $0xE  }
0x17: {  	s15 =	simm.s32 @!p0 $0x0;
	s14 =	sadd.s32 @!p0 s2, s14;
	s13 =	sand.u32 @!p0 $0x4000, s13  }
0x18: {  	[tilespmem:s13], [sflag:$0x1] =	stream.linear.gather @!p0 [hbm4b:s14+s15], $0x4000, $0x38;
	[tilespmem:$0x10000] =	vst v63  }
0x19: {  	p0 =	sge.u32 s31, s6  }
.Ltmp2:
0x1a: {  	_ = 	snop;
	(pc) =	sbr.rel @p0 .LBB1_9-.Ltmp2, $1  }
0x1b: {  	_ =	sdelay $0x3  }
0x1c: {  	s13 =	sshll.u32 s9, $0x2  }
0x1d: {  	_ =	swait.ge [sflag:s5], $0x4000;
	s14 =	sshll.u32 s11, $0xE;
	s16 =	simm.s32 $0x0  }
0x1e: {  	p1 =	por $0x1, $0x1;
	s13 =	sand.u32 $0x10000, s13;
	[sflag:s5] =	ssyncset.done $0x0  }
0x1f: {  	s14 =	sand.u32 $0x4000, s14;
	s15 =	sshrl.u32 s13, $0x2;
	[sflag:s5] =	ssyncadd.s32 $0xFFFFC000  }
0x20: {  	s13 =	sor.u32 $0x8000, s14;
	s14 =	sadd.s32 $0x8040, s15;
	s15 =	sadd.s32 $0x40, s15  }
.LBB1_3:
0x21: {  	s16 =	sshll.u32 s16, $0x2  }
0x22: {  	p0 =	por p1, p1;
	s17 =	sshra.s32 s16, $0x2  }
0x23: {  	s18 =	simm.s32 $0x0;
	s16 =	sadd.s32 s17, s14;
	s17 =	sadd.s32 s17, s15  }
.LBB1_4:
0x24: {  	v0 =	vmov s17;
	_ =	sdelay $0x3  }
0x25: {  	s20 =	simm.s32 $0x0  }
0x26: {  	v6 =	vld.idx.msk [tilespmem:v0+s20+$0x30 ss:$0x1], $0xffff  }
0x27: {  	v7 =	vld.idx.msk [tilespmem:v0+s20+$0xFFFFFFC0 ss:$0x1], $0xffff  }
0x28: {  	v5 =	vld.idx.msk [tilespmem:v0+s20+$0xFFFFFFD0 ss:$0x1], $0xffff  }
0x29: {  	v4 =	vld.idx.msk [tilespmem:v0+s20+$0xFFFFFFE0 ss:$0x1], $0xffff  }
0x2a: {  	v3 =	vld.idx.msk [tilespmem:v0+s20+$0xFFFFFFF0 ss:$0x1], $0xffff  }
0x2b: {  	v1 =	vld.idx.msk [tilespmem:v0+s20+$0x0 ss:$0x1], $0xffff  }
0x2c: {  	v2 =	vld.idx.msk [tilespmem:v0+s20+$0x10 ss:$0x1], $0xffff;
	[tilespmem:s16+$0x30] =	vst v6  }
0x2d: {  	s19 =	simm.s32 $0x80;
	s21 =	simm.s32 $0x400;
	[tilespmem:s16+$0xFFFFFFC0] =	vst v7;
	v6 =	vld.idx.msk [tilespmem:v0+s20+$0x20 ss:$0x1], $0xffff;
	s20 =	smov.u32 s16  }
.LBB1_5:
0x2e: {  	p1 =	sne.s32 s21, $0xE00;
	v7 =	vld.idx.msk [tilespmem:v0+s19+$0x30 ss:$0x1], $0xffff;
	[tilespmem:s20+$0xFFFFFFD0] =	vst v5  }
0x2f: {  	v8 =	vld.idx.msk [tilespmem:v0+s19+$0xFFFFFFC0 ss:$0x1], $0xffff;
	[tilespmem:s20+$0xFFFFFFE0] =	vst v4  }
0x30: {  	v5 =	vld.idx.msk [tilespmem:v0+s19+$0xFFFFFFD0 ss:$0x1], $0xffff;
	[tilespmem:s20+$0xFFFFFFF0] =	vst v3  }
.Ltmp3:
0x31: {  	v4 =	vld.idx.msk [tilespmem:v0+s19+$0xFFFFFFE0 ss:$0x1], $0xffff;
	[tilespmem:s20+$0x0] =	vst v1;
	(pc) =	sbr.rel @p1 .LBB1_5-.Ltmp3, $4  }
0x32: {  	v3 =	vld.idx.msk [tilespmem:v0+s19+$0xFFFFFFF0 ss:$0x1], $0xffff;
	[tilespmem:s20+$0x10] =	vst v2  }
0x33: {  	v1 =	vld.idx.msk [tilespmem:v0+s19+$0x0 ss:$0x1], $0xffff;
	[tilespmem:s20+$0x20] =	vst v6;
	s20 =	sadd.s32 $0x400, s20  }
0x34: {  	v2 =	vld.idx.msk [tilespmem:v0+s19+$0x10 ss:$0x1], $0xffff;
	[tilespmem:s20+$0x30] =	vst v7  }
0x35: {  	[tilespmem:s20+$0xFFFFFFC0] =	vst v8;
	v6 =	vld.idx.msk [tilespmem:v0+s19+$0x20 ss:$0x1], $0xffff;
	s19 =	sshra.s32 s21, $0x2;
	s21 =	sadd.s32 $0x200, s21  }
0x36: {  	_ =	sdelay $0x2  }
0x37: {  	[tilespmem:s20+$0xFFFFFFD0] =	vst v5  }
0x38: {  	v56 =	vld.idx.msk [tilespmem:v0+s19+$0x30 ss:$0x1], $0xffff;
	[tilespmem:s20+$0xFFFFFFE0] =	vst v4  }
0x39: {  	v57 =	vld.idx.msk [tilespmem:v0+s19+$0xFFFFFFC0 ss:$0x1], $0xffff;
	[tilespmem:s20+$0xFFFFFFF0] =	vst v3  }
0x3a: {  	v58 =	vld.idx.msk [tilespmem:v0+s19+$0xFFFFFFD0 ss:$0x1], $0xffff;
	[tilespmem:s20+$0x0] =	vst v1  }
0x3b: {  	v59 =	vld.idx.msk [tilespmem:v0+s19+$0xFFFFFFE0 ss:$0x1], $0xffff;
	[tilespmem:s20+$0x10] =	vst v2  }
0x3c: {  	v60 =	vld.idx.msk [tilespmem:v0+s19+$0xFFFFFFF0 ss:$0x1], $0xffff;
	s31 =	sadd.s32 $0x400, s20;
	[tilespmem:s20+$0x20] =	vst v6  }
0x3d: {  	v61 =	vld.idx.msk [tilespmem:v0+s19+$0x0 ss:$0x1], $0xffff;
	[tilespmem:s31+$0x30] =	vst v56  }
0x3e: {  	v62 =	vld.idx.msk [tilespmem:v0+s19+$0x10 ss:$0x1], $0xffff;
	s18 =	sadd.s32 $0x1, s18;
	[tilespmem:s31+$0xFFFFFFC0] =	vst v57  }
0x3f: {  	v63 =	vld.idx.msk [tilespmem:v0+s19+$0x20 ss:$0x1], $0xffff;
	p1 =	sne.s32 s18, $0x8;
	[tilespmem:s31+$0xFFFFFFD0] =	vst v58  }
.Ltmp4:
0x40: {  	[tilespmem:s31+$0xFFFFFFE0] =	vst v59;
	(pc) =	sbr.rel @p1 .LBB1_4-.Ltmp4, $4  }
0x41: {  	[tilespmem:s31+$0xFFFFFFF0] =	vst v60  }
0x42: {  	[tilespmem:s31+$0x0] =	vst v61  }
0x43: {  	[tilespmem:s31+$0x10] =	vst v62  }
0x44: {  	s16 =	sadd.s32 $0x80, s16;
	s17 =	sadd.s32 $0x400, s17;
	[tilespmem:s31+$0x20] =	vst v63  }
.Ltmp5:
0x45: {  	(pc) =	sbr.rel @p0 .LBB1_3-.Ltmp5, $2  }
0x46: {  	_ =	sdelay $0x2  }
0x47: {  	s16 =	simm.s32 $0x2000;
	p1 =	por $0x0, $0x0  }
.Ltmp6:
0x48: {  	(pc) =	sbr.rel .LBB1_9-.Ltmp6, $4  }
0x49: {  	_ = 	snop  }
0x4a: {  	s12 =	sshll.u32 s12, $0xA  }
0x4b: {  	s12 =	sadd.s32 s4, s12  }
0x4c: {  	[hbm4b:s12+s8] =	stream.linear.scatter [tilespmem:s13], [sflag:$0x2], $0x4000, $0x38;
	[tilespmem:$0x10000] =	vst v63  }
.LBB1_10:
0x4d: {  	_ =	sfence.sel $0x180000  }
0x4e: {  	s2 =	simm.s32 $0x1;
	[bflag:$0x0] =	sbarrier.arrive $0xFFFF  }
0x4f: {  	s31 =	simm.s32 $0x2;
	[sflag:s2] =	ssyncpa.u1 $0x1  }
0x50: {  	[sflag:s31] =	ssyncpa.u1 $0x1  }
0x51: {  	p0 =	sne.s32 s0, $0x0;
	_ =	strace $0x9000004A  }
0x52: {  	s0 =	sadd.s32 @!p0 $0x100000, s1;
	[bflag:$0x2] =	sbarrier.arrive $0xFFFF  }
0x53: {  	[sflag:s0] =	ssyncadd.tile.s32 @!p0 $0x1;
	_ =	shalt  }
.Lfunc_end1:
_tile_overlayer_lowered:
.L_overlay_start_2:
0x54: {  	(tag) =	ssettag $0x2  }
0x55: {  	s0 =	rddreg [dreg:$0x0];
	s2 =	stileid.u32  }
0x56: {  	s1 =	rddreg [dreg:$0x1];
	p0 =	sne.s32 s2, $0x0  }
0x57: {  	s3 =	rddreg [dreg:$0x2];
	[bflag:$0x3] =	sbarrier.arrive $0xFFFF;
	s2 =	simm.s32 @!p0 $0x1C01  }
0x58: {  	[timem:s3], [sflag:s2] =	dma.local @!p0 [hbm:s0], s1  }
0x59: {  	s0 =	simm.s32 @!p0 $0x1  }
0x5a: {  	_ =	swait.ge @!p0 [sflag:s0], s1  }
0x5b: {  	s1 =	ssub.s32 @!p0 $0x0, s1;
	[sflag:s0] =	ssyncset.done @!p0 $0x0  }
0x5c: {  	[sflag:s0] =	ssyncadd.s32 @!p0 s1  }
0x5d: {  	[bflag:$0x3] =	sbarrier.arrive $0xFFFF  }
0x5e: {  	_ =	shalt  }

// kernel: sparse-core-data-format-call.2.cloned.1.call-start
scs
called_computation.2_lowered:
.L_overlay_start_0:
0x0: {  	s2 =	sld [smem:$0x3FD9]  }
0x1: {  	s3 =	sld [smem:$0x3FFE];
	_ =	sdelay $0x1  }
0x2: {  	s1 =	srdreg.scid  }
0x3: {  	s0 =	sand.u32 $0x1, s1  }
0x4: {  	s18 =	sshll.u32 s0, $0xA;
	s2 =	sadd.s32 s3, s2  }
0x5: {  	s2 =	sadd.s32 s2, s18  }
0x6: {  	[smem:$0x3FC4] =	sst s2  }
0x7: {  	_ = 	snop  }
0x8: {  	s2 =	sld [smem:$0x3FC9];
	(tm) =	ssettm $0x1  }
0x9: {  	s19 =	sld [smem:$0x3FFB];
	_ =	sdelay $0x3  }
0xa: {  	_ =	strace s19  }
0xb: {  	s3 =	sld [smem:$0x3FFC];
	_ =	sdelay $0x3  }
0xc: {  	_ =	strace s3  }
0xd: {  	s3 =	sld [smem:$0x3FFD];
	_ =	sdelay $0x3  }
0xe: {  	_ =	strace s3  }
0xf: {  	_ =	strace $0x8FFFFFFF  }
0x10: {  	s20 =	sld [smem:$0x3FDB];
	_ =	sdelay $0x1  }
0x11: {  	s4 =	simm.s32 $_scs_section_size  }
0x12: {  	s5 =	simm.s32 $_size__tile_overlayer_lowered;
	s6 =	simm.s32 $_tile_overlayer_lowered  }
0x13: {  	s23 =	simm.s32 $0x1BFF;
	s22 =	sshll.u32 s6, $0x1;
	s3 =	sadd.s32 s4, s20  }
0x14: {  	s7 =	simm.s32 $0x0;
	s21 =	sshll.u32 s5, $0x1;
	s5 =	sadd.s32 s22, s3  }
0x15: {  	[timem:s7], [sflag:s23] =	dma.local [hbm:s5], s21  }
0x16: {  	_ =	swait.ge [sflag:s23], s21  }
0x17: {  	s4 =	ssub.s32 $0x0, s21;
	[sflag:s23] =	ssyncset.done $0x0  }
0x18: {  	[sflag:s23] =	ssyncadd.s32 s4;
	_ =	sdelay $0x1  }
0x19: {  	s24 =	simm.s32 $0x1B8B  }
0x1a: {  	_ =	swait.ge [sflag:s24], $0x1  }
0x1b: {  	[sflag:s24] =	ssyncset.done $0x0  }
0x1c: {  	s26 =	simm.s32 $0x1B8E;
	s25 =	sld [smem:$0x3FFE];
	[sflag:s24] =	ssyncadd.s32 $0xFFFFFFFF  }
0x1d: {  	s27 =	simm.s32 $execute0_lowered;
	[smem:$0x3FD2] =	sst s26  }
0x1e: {  	s5 =	sshll.u32 s27, $0x1;
	_ =	strace $0x80000046;
	[dreg:$0x1] =	wrdreg $0xFFFFFFFF  }
0x1f: {  	s28 =	simm.s32 $_size_execute0_lowered;
	s3 =	sadd.s32 s3, s5;
	[dreg:$0x0] =	wrdreg $0x0  }
0x20: {  	s5 =	sshll.u32 s28, $0x1;
	[dreg:$0x2] =	wrdreg s3  }
0x21: {  	[dreg:$0x3] =	wrdreg s5  }
0x22: {  	[dreg:$0x4] =	wrdreg $0xC0  }
0x23: {  	_ =	task [dreg:s7], $0x5FFFF  }
0x24: {  	[dreg:$0x1] =	wrdreg $0xFFFFFFFF  }
0x25: {  	[dreg:$0x0] =	wrdreg $0x60  }
0x26: {  	[dreg:$0x2] =	wrdreg s2  }
0x27: {  	[dreg:$0x3] =	wrdreg s25  }
0x28: {  	[dreg:$0x4] =	wrdreg $0xA  }
0x29: {  	_ =	task.clear_ibuf [dreg:s7], $0x5FFFF;
	_ =	strace $0x90000046  }
0x2a: {  	s29 =	simm.s32 $0xA;
	_ =	strace $0x80000048  }
0x2b: {  	_ =	swait.ge [sflag:s29], $0x1  }
0x2c: {  	[sflag:s29] =	ssyncadd.s32 $0xFFFFFFFF  }
0x2d: {  	_ =	strace $0x90000048  }
0x2e: {  	_ =	sfence  }
0x2f: {  	s30 =	sld [smem:$0x0];
	_ =	sdelay $0x2  }
0x30: {  	s31 =	sshll.u32 s1, $0xD;
	s1 =	sshrl.u32 s1, $0x2  }
0x31: {  	s3 =	sand.u32 $0x4000, s31;
	s1 =	sadd.s32 s1, s30  }
0x32: {  	s0 =	sor.u32 s3, s0;
	s1 =	sshll.u32 s1, $0x11  }
0x33: {  	s0 =	sor.u32 s1, s0  }
0x34: {  	s0 =	sadd.s32 $0x8F2B, s0  }
0x35: {  	[sflag:s0] =	ssyncadd.remote.s32 $0x1  }
0x36: {  	_ =	sfence.sel $0xFFFF  }
0x37: {  	[dreg:$0x0] =	wrdreg $0xFFFFFFFF;
	(pc) =	sbr.abs _section_cstart, $3  }
0x38: {  	[dreg:$0x1] =	wrdreg $0xFFFFFFFF  }
0x39: {  	_ =	task.clear_ibuf [dreg:s7], $0x2FFFF;
	_ =	strace $0x9FFFFFFF  }
0x3a: {  	(tm) =	ssettm $0x7FFFFFFF  }
0x3b: {  	_ =	shalt  }
tec
execute0_lowered:
.L_overlay_start_1:
0x0: {  	(tag) =	ssettag $0x1  }
0x1: {  	s0 =	srdreg.scid  }
0x2: {  	s1 =	sshll.u32 s0, $0x4  }
0x3: {  	s2 =	rddreg [dreg:$0x0];
	s0 =	stileid.u32;
	s1 =	sand.u32 $0x10, s1  }
0x4: {  	s4 =	rddreg [dreg:$0x1];
	s7 =	simm.s32 $0x1;
	s1 =	sor.u32 s0, s1  }
0x5: {  	s8 =	simm.s32 $0x2;
	s9 =	simm.s32 $0x0;
	s3 =	sshll.u32 s1, $0x1  }
0x6: {  	s12 =	simm.s32 $0x0;
	s11 =	simm.s32 $0x0;
	s6 =	ssub.s32 $0x800, s3  }
.Ltmp0:
0x7: {  	s4 =	sadd.s32 $0x1000, s4;
	s5 =	sand.u32 $0x3E, s6;
	(pc) =	sbr.rel .LBB1_1-.Ltmp0, $4  }
0x8: {  	s1 =	rddreg [dreg:$0x2];
	_ =	strace $0x80000047;
	p0 =	sne.s32 s5, $0x0  }
0x9: {  	s6 =	sshrl.u32 s6, $0x6;
	s5 =	simm.s32 $0x1;
	s7 =	simm.s32 @!p0 $0x0  }
0xa: {  	s10 =	smov.u32 s3;
	[sflag:s5] =	ssyncpa.u1 $0x0;
	s6 =	sadd.s32 s7, s6  }
0xb: {  	[sflag:s8] =	ssyncpa.u1 $0x0;
	s8 =	simm.s32 $0x0;
	s7 =	sadd.s32 $0x1, s6  }
.LBB1_9:
0xc: {  	s14 =	sadd.s32 $0x40, s10  }
0xd: {  	p1 =	sgt.s32 s14, $0x7FF  }
0xe: {  	s14 =	smov.u32 @p1 s3;
	p1 =	sne.s32 s11, s7  }
.Ltmp1:
0xf: {  	p0 =	slt.u32 s11, $0x2;
	(pc) =	sbr.rel @!p1 .LBB1_10-.Ltmp1, $4  }
0x10: {  	s13 =	simm.s32 @!p0 $0x2  }
0x11: {  	s15 =	sadd.s32 $0x1, s11;
	_ =	swait.ge @!p0 [sflag:s13], $0x4000  }
0x12: {  	s12 =	smov.u32 s10;
	s9 =	sadd.s32 $0x4000, s9;
	[sflag:s13] =	ssyncset.done @!p0 $0x0  }
0x13: {  	s11 =	smov.u32 s15;
	s10 =	smov.u32 s14;
	[sflag:s13] =	ssyncadd.s32 @!p0 $0xFFFFC000  }
.LBB1_1:
0x14: {  	p0 =	sge.u32 s11, s6  }
0x15: {  	s13 =	sxor.u32 @!p0 $0xFFFFFFFF, s11  }
0x16: {  	s31 =	sadd.s32 $0xFFFFFFFF, s11;
	s14 =	sshll.u32 @!p0 s10, $0xA;
	s13 =	sshll.u32 @!p0 s13, $0xE  }
0x17: {  	s15 =	simm.s32 @!p0 $0x0;
	s14 =	sadd.s32 @!p0 s2, s14;
	s13 =	sand.u32 @!p0 $0x4000, s13  }
0x18: {  	[tilespmem:s13], [sflag:$0x1] =	stream.linear.gather @!p0 [hbm4b:s14+s15], $0x4000, $0x38;
	[tilespmem:$0x10000] =	vst v63  }
0x19: {  	p0 =	sge.u32 s31, s6  }
.Ltmp2:
0x1a: {  	_ = 	snop;
	(pc) =	sbr.rel @p0 .LBB1_9-.Ltmp2, $1  }
0x1b: {  	_ =	sdelay $0x3  }
0x1c: {  	s13 =	sshll.u32 s9, $0x2  }
0x1d: {  	_ =	swait.ge [sflag:s5], $0x4000;
	s14 =	sshll.u32 s11, $0xE;
	s16 =	simm.s32 $0x0  }
0x1e: {  	p1 =	por $0x1, $0x1;
	s13 =	sand.u32 $0x10000, s13;
	[sflag:s5] =	ssyncset.done $0x0  }
0x1f: {  	s14 =	sand.u32 $0x4000, s14;
	s15 =	sshrl.u32 s13, $0x2;
	[sflag:s5] =	ssyncadd.s32 $0xFFFFC000  }
0x20: {  	s13 =	sor.u32 $0x8000, s14;
	s14 =	sadd.s32 $0x8040, s15;
	s15 =	sadd.s32 $0x40, s15  }
.LBB1_3:
0x21: {  	s16 =	sshll.u32 s16, $0x2  }
0x22: {  	p0 =	por p1, p1;
	s17 =	sshra.s32 s16, $0x2  }
0x23: {  	s18 =	simm.s32 $0x0;
	s16 =	sadd.s32 s17, s14;
	s17 =	sadd.s32 s17, s15  }
.LBB1_4:
0x24: {  	v0 =	vmov s17;
	_ =	sdelay $0x3  }
0x25: {  	s20 =	simm.s32 $0x0  }
0x26: {  	v6 =	vld.idx.msk [tilespmem:v0+s20+$0x30 ss:$0x1], $0xffff  }
0x27: {  	v7 =	vld.idx.msk [tilespmem:v0+s20+$0xFFFFFFC0 ss:$0x1], $0xffff  }
0x28: {  	v5 =	vld.idx.msk [tilespmem:v0+s20+$0xFFFFFFD0 ss:$0x1], $0xffff  }
0x29: {  	v4 =	vld.idx.msk [tilespmem:v0+s20+$0xFFFFFFE0 ss:$0x1], $0xffff  }
0x2a: {  	v3 =	vld.idx.msk [tilespmem:v0+s20+$0xFFFFFFF0 ss:$0x1], $0xffff  }
0x2b: {  	v1 =	vld.idx.msk [tilespmem:v0+s20+$0x0 ss:$0x1], $0xffff  }
0x2c: {  	v2 =	vld.idx.msk [tilespmem:v0+s20+$0x10 ss:$0x1], $0xffff;
	[tilespmem:s16+$0x30] =	vst v6  }
0x2d: {  	s19 =	simm.s32 $0x80;
	s21 =	simm.s32 $0x400;
	[tilespmem:s16+$0xFFFFFFC0] =	vst v7;
	v6 =	vld.idx.msk [tilespmem:v0+s20+$0x20 ss:$0x1], $0xffff;
	s20 =	smov.u32 s16  }
.LBB1_5:
0x2e: {  	p1 =	sne.s32 s21, $0xE00;
	v7 =	vld.idx.msk [tilespmem:v0+s19+$0x30 ss:$0x1], $0xffff;
	[tilespmem:s20+$0xFFFFFFD0] =	vst v5  }
0x2f: {  	v8 =	vld.idx.msk [tilespmem:v0+s19+$0xFFFFFFC0 ss:$0x1], $0xffff;
	[tilespmem:s20+$0xFFFFFFE0] =	vst v4  }
0x30: {  	v5 =	vld.idx.msk [tilespmem:v0+s19+$0xFFFFFFD0 ss:$0x1], $0xffff;
	[tilespmem:s20+$0xFFFFFFF0] =	vst v3  }
.Ltmp3:
0x31: {  	v4 =	vld.idx.msk [tilespmem:v0+s19+$0xFFFFFFE0 ss:$0x1], $0xffff;
	[tilespmem:s20+$0x0] =	vst v1;
	(pc) =	sbr.rel @p1 .LBB1_5-.Ltmp3, $4  }
0x32: {  	v3 =	vld.idx.msk [tilespmem:v0+s19+$0xFFFFFFF0 ss:$0x1], $0xffff;
	[tilespmem:s20+$0x10] =	vst v2  }
0x33: {  	v1 =	vld.idx.msk [tilespmem:v0+s19+$0x0 ss:$0x1], $0xffff;
	[tilespmem:s20+$0x20] =	vst v6;
	s20 =	sadd.s32 $0x400, s20  }
0x34: {  	v2 =	vld.idx.msk [tilespmem:v0+s19+$0x10 ss:$0x1], $0xffff;
	[tilespmem:s20+$0x30] =	vst v7  }
0x35: {  	[tilespmem:s20+$0xFFFFFFC0] =	vst v8;
	v6 =	vld.idx.msk [tilespmem:v0+s19+$0x20 ss:$0x1], $0xffff;
	s19 =	sshra.s32 s21, $0x2;
	s21 =	sadd.s32 $0x200, s21  }
0x36: {  	_ =	sdelay $0x2  }
0x37: {  	[tilespmem:s20+$0xFFFFFFD0] =	vst v5  }
0x38: {  	v56 =	vld.idx.msk [tilespmem:v0+s19+$0x30 ss:$0x1], $0xffff;
	[tilespmem:s20+$0xFFFFFFE0] =	vst v4  }
0x39: {  	v57 =	vld.idx.msk [tilespmem:v0+s19+$0xFFFFFFC0 ss:$0x1], $0xffff;
	[tilespmem:s20+$0xFFFFFFF0] =	vst v3  }
0x3a: {  	v58 =	vld.idx.msk [tilespmem:v0+s19+$0xFFFFFFD0 ss:$0x1], $0xffff;
	[tilespmem:s20+$0x0] =	vst v1  }
0x3b: {  	v59 =	vld.idx.msk [tilespmem:v0+s19+$0xFFFFFFE0 ss:$0x1], $0xffff;
	[tilespmem:s20+$0x10] =	vst v2  }
0x3c: {  	v60 =	vld.idx.msk [tilespmem:v0+s19+$0xFFFFFFF0 ss:$0x1], $0xffff;
	s31 =	sadd.s32 $0x400, s20;
	[tilespmem:s20+$0x20] =	vst v6  }
0x3d: {  	v61 =	vld.idx.msk [tilespmem:v0+s19+$0x0 ss:$0x1], $0xffff;
	[tilespmem:s31+$0x30] =	vst v56  }
0x3e: {  	v62 =	vld.idx.msk [tilespmem:v0+s19+$0x10 ss:$0x1], $0xffff;
	s18 =	sadd.s32 $0x1, s18;
	[tilespmem:s31+$0xFFFFFFC0] =	vst v57  }
0x3f: {  	v63 =	vld.idx.msk [tilespmem:v0+s19+$0x20 ss:$0x1], $0xffff;
	p1 =	sne.s32 s18, $0x8;
	[tilespmem:s31+$0xFFFFFFD0] =	vst v58  }
.Ltmp4:
0x40: {  	[tilespmem:s31+$0xFFFFFFE0] =	vst v59;
	(pc) =	sbr.rel @p1 .LBB1_4-.Ltmp4, $4  }
0x41: {  	[tilespmem:s31+$0xFFFFFFF0] =	vst v60  }
0x42: {  	[tilespmem:s31+$0x0] =	vst v61  }
0x43: {  	[tilespmem:s31+$0x10] =	vst v62  }
0x44: {  	s16 =	sadd.s32 $0x80, s16;
	s17 =	sadd.s32 $0x400, s17;
	[tilespmem:s31+$0x20] =	vst v63  }
.Ltmp5:
0x45: {  	(pc) =	sbr.rel @p0 .LBB1_3-.Ltmp5, $2  }
0x46: {  	_ =	sdelay $0x2  }
0x47: {  	s16 =	simm.s32 $0x2000;
	p1 =	por $0x0, $0x0  }
.Ltmp6:
0x48: {  	(pc) =	sbr.rel .LBB1_9-.Ltmp6, $4  }
0x49: {  	_ = 	snop  }
0x4a: {  	s12 =	sshll.u32 s12, $0xA  }
0x4b: {  	s12 =	sadd.s32 s4, s12  }
0x4c: {  	[hbm4b:s12+s8] =	stream.linear.scatter [tilespmem:s13], [sflag:$0x2], $0x4000, $0x38;
	[tilespmem:$0x10000] =	vst v63  }
.LBB1_10:
0x4d: {  	_ =	sfence.sel $0x180000  }
0x4e: {  	s2 =	simm.s32 $0x1;
	[bflag:$0x0] =	sbarrier.arrive $0xFFFF  }
0x4f: {  	s31 =	simm.s32 $0x2;
	[sflag:s2] =	ssyncpa.u1 $0x1  }
0x50: {  	[sflag:s31] =	ssyncpa.u1 $0x1  }
0x51: {  	p0 =	sne.s32 s0, $0x0;
	_ =	strace $0x90000047  }
0x52: {  	s0 =	sadd.s32 @!p0 $0x100000, s1;
	[bflag:$0x2] =	sbarrier.arrive $0xFFFF  }
0x53: {  	[sflag:s0] =	ssyncadd.tile.s32 @!p0 $0x1;
	_ =	shalt  }
.Lfunc_end1:
_tile_overlayer_lowered:
.L_overlay_start_2:
0x54: {  	(tag) =	ssettag $0x2  }
0x55: {  	s0 =	rddreg [dreg:$0x0];
	s2 =	stileid.u32  }
0x56: {  	s1 =	rddreg [dreg:$0x1];
	p0 =	sne.s32 s2, $0x0  }
0x57: {  	s3 =	rddreg [dreg:$0x2];
	[bflag:$0x3] =	sbarrier.arrive $0xFFFF;
	s2 =	simm.s32 @!p0 $0x1C01  }
0x58: {  	[timem:s3], [sflag:s2] =	dma.local @!p0 [hbm:s0], s1  }
0x59: {  	s0 =	simm.s32 @!p0 $0x1  }
0x5a: {  	_ =	swait.ge @!p0 [sflag:s0], s1  }
0x5b: {  	s1 =	ssub.s32 @!p0 $0x0, s1;
	[sflag:s0] =	ssyncset.done @!p0 $0x0  }
0x5c: {  	[sflag:s0] =	ssyncadd.s32 @!p0 s1  }
0x5d: {  	[bflag:$0x3] =	sbarrier.arrive $0xFFFF  }
0x5e: {  	_ =	shalt  }

// kernel: sparse-core-data-format-call.cloned.1.call-start
scs
called_computation_lowered:
.L_overlay_start_0:
0x0: {  	s2 =	sld [smem:$0x3FD9]  }
0x1: {  	s3 =	sld [smem:$0x3FFE];
	_ =	sdelay $0x1  }
0x2: {  	s1 =	srdreg.scid  }
0x3: {  	s0 =	sand.u32 $0x1, s1  }
0x4: {  	s18 =	sshll.u32 s0, $0xA;
	s2 =	sadd.s32 s3, s2  }
0x5: {  	s2 =	sadd.s32 s2, s18  }
0x6: {  	[smem:$0x3FC4] =	sst s2  }
0x7: {  	_ = 	snop  }
0x8: {  	s2 =	sld [smem:$0x3FD0];
	(tm) =	ssettm $0x1  }
0x9: {  	s19 =	sld [smem:$0x3FFB];
	_ =	sdelay $0x3  }
0xa: {  	_ =	strace s19  }
0xb: {  	s3 =	sld [smem:$0x3FFC];
	_ =	sdelay $0x3  }
0xc: {  	_ =	strace s3  }
0xd: {  	s3 =	sld [smem:$0x3FFD];
	_ =	sdelay $0x3  }
0xe: {  	_ =	strace s3  }
0xf: {  	_ =	strace $0x8FFFFFFF  }
0x10: {  	s20 =	sld [smem:$0x3FDB];
	_ =	sdelay $0x1  }
0x11: {  	s4 =	simm.s32 $_scs_section_size  }
0x12: {  	s5 =	simm.s32 $_size__tile_overlayer_lowered;
	s6 =	simm.s32 $_tile_overlayer_lowered  }
0x13: {  	s23 =	simm.s32 $0x1BFF;
	s22 =	sshll.u32 s6, $0x1;
	s3 =	sadd.s32 s4, s20  }
0x14: {  	s7 =	simm.s32 $0x0;
	s21 =	sshll.u32 s5, $0x1;
	s5 =	sadd.s32 s22, s3  }
0x15: {  	[timem:s7], [sflag:s23] =	dma.local [hbm:s5], s21  }
0x16: {  	_ =	swait.ge [sflag:s23], s21  }
0x17: {  	s4 =	ssub.s32 $0x0, s21;
	[sflag:s23] =	ssyncset.done $0x0  }
0x18: {  	[sflag:s23] =	ssyncadd.s32 s4;
	_ =	sdelay $0x1  }
0x19: {  	s24 =	simm.s32 $0x1B8B  }
0x1a: {  	_ =	swait.ge [sflag:s24], $0x1  }
0x1b: {  	[sflag:s24] =	ssyncset.done $0x0  }
0x1c: {  	s26 =	simm.s32 $0x1B8E;
	s25 =	sld [smem:$0x3FFE];
	[sflag:s24] =	ssyncadd.s32 $0xFFFFFFFF  }
0x1d: {  	s27 =	simm.s32 $execute0_lowered;
	[smem:$0x3FD2] =	sst s26  }
0x1e: {  	s5 =	sshll.u32 s27, $0x1;
	_ =	strace $0x8000004F;
	[dreg:$0x1] =	wrdreg $0xFFFFFFFF  }
0x1f: {  	s28 =	simm.s32 $_size_execute0_lowered;
	s3 =	sadd.s32 s3, s5;
	[dreg:$0x0] =	wrdreg $0x0  }
0x20: {  	s5 =	sshll.u32 s28, $0x1;
	[dreg:$0x2] =	wrdreg s3  }
0x21: {  	[dreg:$0x3] =	wrdreg s5  }
0x22: {  	[dreg:$0x4] =	wrdreg $0xC0  }
0x23: {  	_ =	task [dreg:s7], $0x5FFFF  }
0x24: {  	[dreg:$0x1] =	wrdreg $0xFFFFFFFF  }
0x25: {  	[dreg:$0x0] =	wrdreg $0x60  }
0x26: {  	[dreg:$0x2] =	wrdreg s25  }
0x27: {  	[dreg:$0x3] =	wrdreg s2  }
0x28: {  	[dreg:$0x4] =	wrdreg $0x9  }
0x29: {  	_ =	task.clear_ibuf [dreg:s7], $0x5FFFF;
	_ =	strace $0x9000004F  }
0x2a: {  	s29 =	simm.s32 $0x9;
	_ =	strace $0x80000051  }
0x2b: {  	_ =	swait.ge [sflag:s29], $0x1  }
0x2c: {  	[sflag:s29] =	ssyncadd.s32 $0xFFFFFFFF  }
0x2d: {  	_ =	strace $0x90000051  }
0x2e: {  	_ =	sfence  }
0x2f: {  	s30 =	sld [smem:$0x0];
	_ =	sdelay $0x2  }
0x30: {  	s31 =	sshll.u32 s1, $0xD;
	s1 =	sshrl.u32 s1, $0x2  }
0x31: {  	s3 =	sand.u32 $0x4000, s31;
	s1 =	sadd.s32 s1, s30  }
0x32: {  	s0 =	sor.u32 s3, s0;
	s1 =	sshll.u32 s1, $0x11  }
0x33: {  	s0 =	sor.u32 s1, s0  }
0x34: {  	s0 =	sadd.s32 $0x8F2B, s0  }
0x35: {  	[sflag:s0] =	ssyncadd.remote.s32 $0x1  }
0x36: {  	_ =	sfence.sel $0xFFFF  }
0x37: {  	[dreg:$0x0] =	wrdreg $0xFFFFFFFF;
	(pc) =	sbr.abs _section_cstart, $3  }
0x38: {  	[dreg:$0x1] =	wrdreg $0xFFFFFFFF  }
0x39: {  	_ =	task.clear_ibuf [dreg:s7], $0x2FFFF;
	_ =	strace $0x9FFFFFFF  }
0x3a: {  	(tm) =	ssettm $0x7FFFFFFF  }
0x3b: {  	_ =	shalt  }
tec
execute0_lowered:
.L_overlay_start_1:
0x0: {  	(tag) =	ssettag $0x1  }
0x1: {  	s0 =	srdreg.scid  }
0x2: {  	s1 =	sshll.u32 s0, $0x4  }
0x3: {  	s4 =	rddreg [dreg:$0x0];
	s0 =	stileid.u32;
	s1 =	sand.u32 $0x10, s1  }
0x4: {  	s2 =	rddreg [dreg:$0x1];
	s7 =	simm.s32 $0x1;
	s1 =	sor.u32 s0, s1  }
0x5: {  	s8 =	simm.s32 $0x2;
	s9 =	simm.s32 $0x0;
	s3 =	sshll.u32 s1, $0x1  }
0x6: {  	s12 =	simm.s32 $0x0;
	s11 =	simm.s32 $0x0;
	s6 =	ssub.s32 $0x2000, s3  }
.Ltmp0:
0x7: {  	s4 =	sadd.s32 $0x201000, s4;
	s5 =	sand.u32 $0x3E, s6;
	(pc) =	sbr.rel .LBB1_1-.Ltmp0, $4  }
0x8: {  	s1 =	rddreg [dreg:$0x2];
	_ =	strace $0x80000050;
	p0 =	sne.s32 s5, $0x0  }
0x9: {  	s6 =	sshrl.u32 s6, $0x6;
	s5 =	simm.s32 $0x1;
	s7 =	simm.s32 @!p0 $0x0  }
0xa: {  	s10 =	smov.u32 s3;
	[sflag:s5] =	ssyncpa.u1 $0x0;
	s6 =	sadd.s32 s7, s6  }
0xb: {  	[sflag:s8] =	ssyncpa.u1 $0x0;
	s8 =	simm.s32 $0x0;
	s7 =	sadd.s32 $0x1, s6  }
.LBB1_9:
0xc: {  	s14 =	sadd.s32 $0x40, s10  }
0xd: {  	p1 =	sgt.s32 s14, $0x1FFF  }
0xe: {  	s14 =	smov.u32 @p1 s3;
	p1 =	sne.s32 s11, s7  }
.Ltmp1:
0xf: {  	p0 =	slt.u32 s11, $0x2;
	(pc) =	sbr.rel @!p1 .LBB1_10-.Ltmp1, $4  }
0x10: {  	s13 =	simm.s32 @!p0 $0x2  }
0x11: {  	s15 =	sadd.s32 $0x1, s11;
	_ =	swait.ge @!p0 [sflag:s13], $0x4000  }
0x12: {  	s12 =	smov.u32 s10;
	s9 =	sadd.s32 $0x4000, s9;
	[sflag:s13] =	ssyncset.done @!p0 $0x0  }
0x13: {  	s11 =	smov.u32 s15;
	s10 =	smov.u32 s14;
	[sflag:s13] =	ssyncadd.s32 @!p0 $0xFFFFC000  }
.LBB1_1:
0x14: {  	p0 =	sge.u32 s11, s6  }
0x15: {  	s13 =	sxor.u32 @!p0 $0xFFFFFFFF, s11  }
0x16: {  	s31 =	sadd.s32 $0xFFFFFFFF, s11;
	s14 =	sshll.u32 @!p0 s10, $0xA;
	s13 =	sshll.u32 @!p0 s13, $0xE  }
0x17: {  	s15 =	simm.s32 @!p0 $0x0;
	s14 =	sadd.s32 @!p0 s4, s14;
	s13 =	sand.u32 @!p0 $0x4000, s13  }
0x18: {  	[tilespmem:s13], [sflag:$0x1] =	stream.linear.gather @!p0 [hbm4b:s14+s15], $0x4000, $0x38;
	[tilespmem:$0x10000] =	vst v63  }
0x19: {  	p0 =	sge.u32 s31, s6  }
.Ltmp2:
0x1a: {  	_ = 	snop;
	(pc) =	sbr.rel @p0 .LBB1_9-.Ltmp2, $1  }
0x1b: {  	_ =	sdelay $0x3  }
0x1c: {  	s13 =	sshll.u32 s9, $0x2  }
0x1d: {  	_ =	swait.ge [sflag:s5], $0x4000;
	s14 =	sshll.u32 s11, $0xE;
	s16 =	simm.s32 $0x0  }
0x1e: {  	p1 =	por $0x1, $0x1;
	s13 =	sand.u32 $0x10000, s13;
	[sflag:s5] =	ssyncset.done $0x0  }
0x1f: {  	s14 =	sand.u32 $0x4000, s14;
	s15 =	sshrl.u32 s13, $0x2;
	[sflag:s5] =	ssyncadd.s32 $0xFFFFC000  }
0x20: {  	s13 =	sor.u32 $0x8000, s14;
	s14 =	sadd.s32 $0x8040, s15;
	s15 =	sadd.s32 $0x40, s15  }
.LBB1_3:
0x21: {  	s16 =	sshll.u32 s16, $0x2  }
0x22: {  	p0 =	por p1, p1;
	s17 =	sshra.s32 s16, $0x2  }
0x23: {  	s18 =	simm.s32 $0x0;
	s16 =	sadd.s32 s17, s14;
	s17 =	sadd.s32 s17, s15  }
.LBB1_4:
0x24: {  	v0 =	vmov s17;
	_ =	sdelay $0x3  }
0x25: {  	s20 =	simm.s32 $0x0  }
0x26: {  	v6 =	vld.idx.msk [tilespmem:v0+s20+$0x30 ss:$0x1], $0xffff  }
0x27: {  	v7 =	vld.idx.msk [tilespmem:v0+s20+$0xFFFFFFC0 ss:$0x1], $0xffff  }
0x28: {  	v5 =	vld.idx.msk [tilespmem:v0+s20+$0xFFFFFFD0 ss:$0x1], $0xffff  }
0x29: {  	v4 =	vld.idx.msk [tilespmem:v0+s20+$0xFFFFFFE0 ss:$0x1], $0xffff  }
0x2a: {  	v3 =	vld.idx.msk [tilespmem:v0+s20+$0xFFFFFFF0 ss:$0x1], $0xffff  }
0x2b: {  	v1 =	vld.idx.msk [tilespmem:v0+s20+$0x0 ss:$0x1], $0xffff  }
0x2c: {  	v2 =	vld.idx.msk [tilespmem:v0+s20+$0x10 ss:$0x1], $0xffff;
	[tilespmem:s16+$0x30] =	vst v6  }
0x2d: {  	s19 =	simm.s32 $0x80;
	s21 =	simm.s32 $0x400;
	[tilespmem:s16+$0xFFFFFFC0] =	vst v7;
	v6 =	vld.idx.msk [tilespmem:v0+s20+$0x20 ss:$0x1], $0xffff;
	s20 =	smov.u32 s16  }
.LBB1_5:
0x2e: {  	p1 =	sne.s32 s21, $0xE00;
	v7 =	vld.idx.msk [tilespmem:v0+s19+$0x30 ss:$0x1], $0xffff;
	[tilespmem:s20+$0xFFFFFFD0] =	vst v5  }
0x2f: {  	v8 =	vld.idx.msk [tilespmem:v0+s19+$0xFFFFFFC0 ss:$0x1], $0xffff;
	[tilespmem:s20+$0xFFFFFFE0] =	vst v4  }
0x30: {  	v5 =	vld.idx.msk [tilespmem:v0+s19+$0xFFFFFFD0 ss:$0x1], $0xffff;
	[tilespmem:s20+$0xFFFFFFF0] =	vst v3  }
.Ltmp3:
0x31: {  	v4 =	vld.idx.msk [tilespmem:v0+s19+$0xFFFFFFE0 ss:$0x1], $0xffff;
	[tilespmem:s20+$0x0] =	vst v1;
	(pc) =	sbr.rel @p1 .LBB1_5-.Ltmp3, $4  }
0x32: {  	v3 =	vld.idx.msk [tilespmem:v0+s19+$0xFFFFFFF0 ss:$0x1], $0xffff;
	[tilespmem:s20+$0x10] =	vst v2  }
0x33: {  	v1 =	vld.idx.msk [tilespmem:v0+s19+$0x0 ss:$0x1], $0xffff;
	[tilespmem:s20+$0x20] =	vst v6;
	s20 =	sadd.s32 $0x400, s20  }
0x34: {  	v2 =	vld.idx.msk [tilespmem:v0+s19+$0x10 ss:$0x1], $0xffff;
	[tilespmem:s20+$0x30] =	vst v7  }
0x35: {  	[tilespmem:s20+$0xFFFFFFC0] =	vst v8;
	v6 =	vld.idx.msk [tilespmem:v0+s19+$0x20 ss:$0x1], $0xffff;
	s19 =	sshra.s32 s21, $0x2;
	s21 =	sadd.s32 $0x200, s21  }
0x36: {  	_ =	sdelay $0x2  }
0x37: {  	[tilespmem:s20+$0xFFFFFFD0] =	vst v5  }
0x38: {  	v56 =	vld.idx.msk [tilespmem:v0+s19+$0x30 ss:$0x1], $0xffff;
	[tilespmem:s20+$0xFFFFFFE0] =	vst v4  }
0x39: {  	v57 =	vld.idx.msk [tilespmem:v0+s19+$0xFFFFFFC0 ss:$0x1], $0xffff;
	[tilespmem:s20+$0xFFFFFFF0] =	vst v3  }
0x3a: {  	v58 =	vld.idx.msk [tilespmem:v0+s19+$0xFFFFFFD0 ss:$0x1], $0xffff;
	[tilespmem:s20+$0x0] =	vst v1  }
0x3b: {  	v59 =	vld.idx.msk [tilespmem:v0+s19+$0xFFFFFFE0 ss:$0x1], $0xffff;
	[tilespmem:s20+$0x10] =	vst v2  }
0x3c: {  	v60 =	vld.idx.msk [tilespmem:v0+s19+$0xFFFFFFF0 ss:$0x1], $0xffff;
	s31 =	sadd.s32 $0x400, s20;
	[tilespmem:s20+$0x20] =	vst v6  }
0x3d: {  	v61 =	vld.idx.msk [tilespmem:v0+s19+$0x0 ss:$0x1], $0xffff;
	[tilespmem:s31+$0x30] =	vst v56  }
0x3e: {  	v62 =	vld.idx.msk [tilespmem:v0+s19+$0x10 ss:$0x1], $0xffff;
	s18 =	sadd.s32 $0x1, s18;
	[tilespmem:s31+$0xFFFFFFC0] =	vst v57  }
0x3f: {  	v63 =	vld.idx.msk [tilespmem:v0+s19+$0x20 ss:$0x1], $0xffff;
	p1 =	sne.s32 s18, $0x8;
	[tilespmem:s31+$0xFFFFFFD0] =	vst v58  }
.Ltmp4:
0x40: {  	[tilespmem:s31+$0xFFFFFFE0] =	vst v59;
	(pc) =	sbr.rel @p1 .LBB1_4-.Ltmp4, $4  }
0x41: {  	[tilespmem:s31+$0xFFFFFFF0] =	vst v60  }
0x42: {  	[tilespmem:s31+$0x0] =	vst v61  }
0x43: {  	[tilespmem:s31+$0x10] =	vst v62  }
0x44: {  	s16 =	sadd.s32 $0x80, s16;
	s17 =	sadd.s32 $0x400, s17;
	[tilespmem:s31+$0x20] =	vst v63  }
.Ltmp5:
0x45: {  	(pc) =	sbr.rel @p0 .LBB1_3-.Ltmp5, $2  }
0x46: {  	_ =	sdelay $0x2  }
0x47: {  	s16 =	simm.s32 $0x2000;
	p1 =	por $0x0, $0x0  }
.Ltmp6:
0x48: {  	(pc) =	sbr.rel .LBB1_9-.Ltmp6, $4  }
0x49: {  	_ = 	snop  }
0x4a: {  	s12 =	sshll.u32 s12, $0xA  }
0x4b: {  	s12 =	sadd.s32 s2, s12  }
0x4c: {  	[hbm4b:s12+s8] =	stream.linear.scatter [tilespmem:s13], [sflag:$0x2], $0x4000, $0x38;
	[tilespmem:$0x10000] =	vst v63  }
.LBB1_10:
0x4d: {  	_ =	sfence.sel $0x180000  }
0x4e: {  	s2 =	simm.s32 $0x1;
	[bflag:$0x0] =	sbarrier.arrive $0xFFFF  }
0x4f: {  	s31 =	simm.s32 $0x2;
	[sflag:s2] =	ssyncpa.u1 $0x1  }
0x50: {  	[sflag:s31] =	ssyncpa.u1 $0x1  }
0x51: {  	p0 =	sne.s32 s0, $0x0;
	_ =	strace $0x90000050  }
0x52: {  	s0 =	sadd.s32 @!p0 $0x100000, s1;
	[bflag:$0x2] =	sbarrier.arrive $0xFFFF  }
0x53: {  	[sflag:s0] =	ssyncadd.tile.s32 @!p0 $0x1;
	_ =	shalt  }
.Lfunc_end1:
_tile_overlayer_lowered:
.L_overlay_start_2:
0x54: {  	(tag) =	ssettag $0x2  }
0x55: {  	s0 =	rddreg [dreg:$0x0];
	s2 =	stileid.u32  }
0x56: {  	s1 =	rddreg [dreg:$0x1];
	p0 =	sne.s32 s2, $0x0  }
0x57: {  	s3 =	rddreg [dreg:$0x2];
	[bflag:$0x3] =	sbarrier.arrive $0xFFFF;
	s2 =	simm.s32 @!p0 $0x1C01  }
0x58: {  	[timem:s3], [sflag:s2] =	dma.local @!p0 [hbm:s0], s1  }
0x59: {  	s0 =	simm.s32 @!p0 $0x1  }
0x5a: {  	_ =	swait.ge @!p0 [sflag:s0], s1  }
0x5b: {  	s1 =	ssub.s32 @!p0 $0x0, s1;
	[sflag:s0] =	ssyncset.done @!p0 $0x0  }
0x5c: {  	[sflag:s0] =	ssyncadd.s32 @!p0 s1  }
0x5d: {  	[bflag:$0x3] =	sbarrier.arrive $0xFFFF  }
0x5e: {  	_ =	shalt  }

</sc_bundles>
